<compile_context>
chip_gen: v7x
topology: tpu7x:2x2x1
jax: 0.10.2.dev20260603
libtpu: 0.0.44.dev20260713+nightly
codegen_flags: <defaults>
</compile_context>

<pallas_src>
import functools

import jax
import jax.numpy as jnp
from jax import lax
from jax.experimental import pallas as pl
from jax.experimental.pallas import tpu as pltpu
from jax.experimental.pallas import tpu_sc as plsc

NPAD = 512
_NEG = -1e30


def _leaky(v):
    return jnp.maximum(v, 0.2 * v)



def _edge_count_sc(src_p, dst_p, zeros_slab):
    ep = src_p.shape[0]
    nchunks = ep // 16
    mesh = plsc.VectorSubcoreMesh(core_axis_name="c", subcore_axis_name="s")

    slab_n = 16 * NPAD

    @functools.partial(
        pl.kernel,
        mesh=mesh,
        compiler_params=pltpu.CompilerParams(needs_layout_passes=False),
        out_type=jax.ShapeDtypeStruct((NPAD * NPAD,), jnp.float32),
        scratch_types=[
            pltpu.VMEM((ep + 16,), jnp.int32),
            pltpu.VMEM((ep,), jnp.int32),
            pltpu.VMEM((slab_n + 16,), jnp.float32),
        ],
    )
    def k(src_hbm, dst_hbm, z_hbm, out_hbm, src_v, dst_v, slab):
        wid = lax.axis_index("s") * 2 + lax.axis_index("c")
        lo = wid * 16
        pltpu.sync_copy(src_hbm, src_v.at[pl.ds(0, ep)])
        pltpu.sync_copy(dst_hbm, dst_v)
        pltpu.sync_copy(z_hbm, slab.at[pl.ds(0, slab_n)])
        ones = jnp.full((16,), 1.0, jnp.float32)

        def bsearch(target):
            def bs(_, ab):
                lo_i, hi_i = ab
                mid = (lo_i + hi_i) // 2
                lt = src_v[pl.ds(mid, 16)][0] < target
                nlo = jnp.where(lt, mid + 1, lo_i)
                nhi = jnp.where(lt, hi_i, mid)
                act = lo_i < hi_i
                return (jnp.where(act, nlo, lo_i), jnp.where(act, nhi, hi_i))
            return lax.fori_loop(0, 14, bs, (0, ep))[0]

        c0 = bsearch(lo) // 16
        c1 = (bsearch(lo + 16) + 15) // 16

        def body(i, carry):
            sv = src_v[pl.ds(i * 16, 16)]
            dv = dst_v[pl.ds(i * 16, 16)]
            m = (sv >= lo) & (sv < lo + 16)
            flat = jnp.where(m, (sv - lo) * NPAD + dv, slab_n)
            plsc.store_scatter(slab, [flat], ones)
            return carry

        lax.fori_loop(c0, c1, body, 0)
        pltpu.sync_copy(slab.at[pl.ds(0, slab_n)], out_hbm.at[pl.ds(lo * NPAD, slab_n)])

    return k(src_p, dst_p, zeros_slab).reshape(NPAD, NPAD)



def _gat_body(nreal, x1_ref, x2_ref, vk_ref, w1, b1, w2, b2, cnt_ref,
              w11, a11s, a11d, b11, w12, a12s, a12d, b12,
              w21, a21s, a21d, b21, w22, a22s, a22d, b22,
              h_ref, lbias_ref):
    bb = pl.program_id(0)

    @pl.when(bb == 0)
    def _():
        eye = (lax.broadcasted_iota(jnp.int32, (NPAD, NPAD), 0)
               == lax.broadcasted_iota(jnp.int32, (NPAD, NPAD), 1))
        cnte = cnt_ref[...].T + eye.astype(jnp.float32)
        lbias_ref[...] = jnp.where(cnte > 0.0, jnp.log2(cnte), _NEG)

    lbias = lbias_ref[...]
    nf = x1_ref.shape[-1]
    zpad = jnp.zeros((NPAD - nreal - 1, nf), jnp.float32)

    log2e = jnp.float32(1.4426950408889634)

    def gat(hin, w_ref, as_ref, ad_ref, b_ref):
        h = lax.dot_general(hin, w_ref[...], (((1,), (1,)), ((), ())),
                            preferred_element_type=jnp.float32)
        asrc_row = lax.dot_general(as_ref[...], h, (((1,), (1,)), ((), ())),
                                   preferred_element_type=jnp.float32) * log2e
        adst_row = lax.dot_general(ad_ref[...], h, (((1,), (1,)), ((), ())),
                                   preferred_element_type=jnp.float32) * log2e
        e = jnp.exp2(_leaky(asrc_row + adst_row.reshape(NPAD, 1)) + lbias)
        h65 = jnp.concatenate([h, jnp.ones((NPAD, 1), jnp.float32)], axis=1)
        r = lax.dot_general(e, h65, (((1,), (0,)), ((), ())),
                            preferred_element_type=jnp.float32)
        return r[:, :h.shape[1]] / (r[:, h.shape[1]:] + 1e-16) + b_ref[...]

    for j in range(x1_ref.shape[0]):
        vkrow = vk_ref[j]
        xv1 = lax.dot_general(vkrow, w1[...], (((1,), (1,)), ((), ())),
                              preferred_element_type=jnp.float32) + b1[...]
        xv2 = lax.dot_general(vkrow, w2[...], (((1,), (1,)), ((), ())),
                              preferred_element_type=jnp.float32) + b2[...]
        x1 = jnp.concatenate([x1_ref[j, 0], xv1, zpad], axis=0)
        x2 = jnp.concatenate([x2_ref[j, 0], xv2, zpad], axis=0)
        h1 = _leaky(gat(x1, w11, a11s, a11d, b11))
        h2 = _leaky(gat(x2, w21, a21s, a21d, b21))
        h1 = _leaky(gat(h1, w12, a12s, a12d, b12))
        h2 = _leaky(gat(h2, w22, a22s, a22d, b22))
        h_ref[j, 0] = h1[:nreal + 1]
        h_ref[j, 1] = h2[:nreal + 1]



def _fc_body(hp_ref, wp_ref, b1_ref, w2_ref, b2_ref, out_ref, acc_ref):
    kstep = pl.program_id(0)

    @pl.when(kstep == 0)
    def _():
        acc_ref[...] = jnp.zeros_like(acc_ref)

    acc_ref[...] += lax.dot_general(
        hp_ref[...], wp_ref[...], (((1,), (1,)), ((), ())),
        preferred_element_type=jnp.float32)

    @pl.when(kstep == pl.num_programs(0) - 1)
    def _():
        r = _leaky(acc_ref[...] + b1_ref[...])
        out_ref[...] = lax.dot_general(
            r, w2_ref[...], (((1,), (0,)), ((), ())),
            preferred_element_type=jnp.float32) + b2_ref[...]


def kernel(x, vk_data, W1, b1, W2, b2,
           g11_W, g11_as, g11_ad, g11_b, g12_W, g12_as, g12_ad, g12_b,
           g21_W, g21_as, g21_ad, g21_b, g22_W, g22_as, g22_ad, g22_b,
           fc1_W, fc1_b, fc2_W, fc2_b, edge_index):
    B, _, N, F = x.shape
    H = g11_W.shape[0]
    n = N + 1

    src = edge_index[0].astype(jnp.int32)
    dst = edge_index[1].astype(jnp.int32)
    E = src.shape[0]
    Ep = max(16, ((E + 15) // 16) * 16)
    src_p = jnp.pad(src, (0, Ep - E), constant_values=1 << 20)
    dst_p = jnp.pad(dst, (0, Ep - E))
    zeros_slab = jnp.zeros((16 * NPAD,), jnp.float32)
    cnt = _edge_count_sc(src_p, dst_p, zeros_slab)

    small = pl.BlockSpec(None, lambda bb: (0, 0))
    bper = 4
    hcat = pl.pallas_call(
        functools.partial(_gat_body, N),
        grid=(B // bper,),
        in_specs=[
            pl.BlockSpec((bper, 1, N, F), lambda bb: (bb, 0, 0, 0)),
            pl.BlockSpec((bper, 1, N, F), lambda bb: (bb, 1, 0, 0)),
            pl.BlockSpec((bper, 1, vk_data.shape[1]), lambda bb: (bb, 0, 0)),
            small, small, small, small,
            pl.BlockSpec((NPAD, NPAD), lambda bb: (0, 0)),
        ] + [small] * 16,
        out_specs=pl.BlockSpec((bper, 2, n, H), lambda bb: (bb, 0, 0, 0)),
        out_shape=jax.ShapeDtypeStruct((B, 2, n, H), jnp.float32),
        scratch_shapes=[pltpu.VMEM((NPAD, NPAD), jnp.float32)],
    )(x, x, vk_data[:, None], W1, b1[None], W2, b2[None], cnt,
      g11_W, g11_as[None], g11_ad[None], g11_b[None],
      g12_W, g12_as[None], g12_ad[None], g12_b[None],
      g21_W, g21_as[None], g21_ad[None], g21_b[None],
      g22_W, g22_as[None], g22_ad[None], g22_b[None])

    K = 2 * n * H
    nk = 3
    kchunk = K // nk
    hp = hcat.reshape(B, K)
    nout = fc1_W.shape[0]

    out = pl.pallas_call(
        _fc_body,
        grid=(nk,),
        in_specs=[
            pl.BlockSpec((B, kchunk), lambda kk: (0, kk)),
            pl.BlockSpec((nout, kchunk), lambda kk: (0, kk)),
            pl.BlockSpec(None, lambda kk: (0, 0)),
            pl.BlockSpec(None, lambda kk: (0, 0)),
            pl.BlockSpec(None, lambda kk: (0, 0)),
        ],
        out_specs=pl.BlockSpec((B, 1), lambda kk: (0, 0)),
        out_shape=jax.ShapeDtypeStruct((B, 1), jnp.float32),
        scratch_shapes=[pltpu.VMEM((B, nout), jnp.float32)],
    )(hp, fc1_W, fc1_b[None], fc2_W.T, fc2_b[None])

    return out

# --- scband reference (transcript-rebuilt; emitter-appended) ---
"""Pipeline reference for scband-gcndp3-31044023616331 (READ-ONLY COPY).

The authoritative reference and input builder live on the scoring server;
editing this copy changes nothing except your own understanding.
"""

import jax
import jax.numpy as jnp
import numpy as np

B = 64
N = 500
F = 128
VK = 64
H = 64
DENSITY = 0.02


def setup_inputs(seed=0):
    ks = jax.random.split(jax.random.key(seed), 24)
    rng = np.random.default_rng(seed)
    adj = (rng.random((N, N)) < DENSITY)
    edge_index = jnp.asarray(np.stack(np.nonzero(adj), axis=0).astype(np.int64))

    def lin(k, o, i):
        return jax.random.normal(k, (o, i), jnp.float32) / np.sqrt(i)

    D = 2 * (N + 1) * H
    return {
        "x": jax.random.normal(ks[0], (B, 2, N, F), jnp.float32),
        "vk_data": jax.random.normal(ks[1], (B, VK), jnp.float32),
        "W1": lin(ks[2], F, VK), "b1": jnp.zeros((F,), jnp.float32),
        "W2": lin(ks[3], F, VK), "b2": jnp.zeros((F,), jnp.float32),
        "g11_W": lin(ks[4], H, F), "g11_as": jax.random.normal(ks[5], (H,), jnp.float32) * 0.1, "g11_ad": jax.random.normal(ks[6], (H,), jnp.float32) * 0.1, "g11_b": jnp.zeros((H,), jnp.float32),
        "g12_W": lin(ks[7], H, H), "g12_as": jax.random.normal(ks[8], (H,), jnp.float32) * 0.1, "g12_ad": jax.random.normal(ks[9], (H,), jnp.float32) * 0.1, "g12_b": jnp.zeros((H,), jnp.float32),
        "g21_W": lin(ks[10], H, F), "g21_as": jax.random.normal(ks[11], (H,), jnp.float32) * 0.1, "g21_ad": jax.random.normal(ks[12], (H,), jnp.float32) * 0.1, "g21_b": jnp.zeros((H,), jnp.float32),
        "g22_W": lin(ks[13], H, H), "g22_as": jax.random.normal(ks[14], (H,), jnp.float32) * 0.1, "g22_ad": jax.random.normal(ks[15], (H,), jnp.float32) * 0.1, "g22_b": jnp.zeros((H,), jnp.float32),
        "fc1_W": lin(ks[16], 100, D), "fc1_b": jnp.zeros((100,), jnp.float32),
        "fc2_W": lin(ks[17], 1, 100), "fc2_b": jnp.zeros((1,), jnp.float32),
        "edge_index": edge_index,
    }


def _leaky(v):
    return jnp.where(v > 0, v, 0.2 * v)


def _gat(x, src, dst, W, a_s, a_d, b, n):
    h = x @ W.T
    a = _leaky((h * a_s).sum(-1)[src] + (h * a_d).sum(-1)[dst])
    amax = jax.ops.segment_max(a, dst, num_segments=n)
    e = jnp.exp(a - amax[dst])
    den = jax.ops.segment_sum(e, dst, num_segments=n)
    alpha = e / (den[dst] + 1e-16)
    return jax.ops.segment_sum(h[src] * alpha[:, None], dst, num_segments=n) + b


def _forward(edge_index, x, vk_data, W1, b1, W2, b2, g11_W, g11_as, g11_ad, g11_b, g12_W, g12_as, g12_ad, g12_b, g21_W, g21_as, g21_ad, g21_b, g22_W, g22_as, g22_ad, g22_b, fc1_W, fc1_b, fc2_W, fc2_b):
    Bv, _, Nv, Fv = x.shape
    n_tot = Bv * (Nv + 1)
    xv1 = (vk_data @ W1.T + b1)[:, None, :]
    xv2 = (vk_data @ W2.T + b2)[:, None, :]
    xd1 = jnp.concatenate([x[:, 0], xv1], axis=1).reshape(-1, Fv)
    xd2 = jnp.concatenate([x[:, 1], xv2], axis=1).reshape(-1, Fv)
    offsets = jnp.arange(0, n_tot, Nv + 1, dtype=edge_index.dtype)
    eei = (edge_index[:, None, :] + offsets[None, :, None]).reshape(2, -1)
    loops = jnp.arange(n_tot, dtype=edge_index.dtype)
    src = jnp.concatenate([eei[0], loops])
    dst = jnp.concatenate([eei[1], loops])
    h1 = _leaky(_gat(xd1, src, dst, g11_W, g11_as, g11_ad, g11_b, n_tot))
    h1 = _leaky(_gat(h1, src, dst, g12_W, g12_as, g12_ad, g12_b, n_tot))
    h2 = _leaky(_gat(xd2, src, dst, g21_W, g21_as, g21_ad, g21_b, n_tot))
    h2 = _leaky(_gat(h2, src, dst, g22_W, g22_as, g22_ad, g22_b, n_tot))
    h1 = h1.reshape(Bv, Nv + 1, -1)
    h2 = h2.reshape(Bv, Nv + 1, -1)
    hcat = jnp.concatenate([h1, h2], axis=1).reshape(Bv, -1)
    out = _leaky(hcat @ fc1_W.T + fc1_b)
    return out @ fc2_W.T + fc2_b


def reference(x, vk_data, W1, b1, W2, b2, g11_W, g11_as, g11_ad, g11_b, g12_W, g12_as, g12_ad, g12_b, g21_W, g21_as, g21_ad, g21_b, g22_W, g22_as, g22_ad, g22_b, fc1_W, fc1_b, fc2_W, fc2_b, edge_index):
    return _forward(edge_index, x, vk_data, W1, b1, W2, b2, g11_W, g11_as, g11_ad, g11_b, g12_W, g12_as, g12_ad, g12_b, g21_W, g21_as, g21_ad, g21_b, g22_W, g22_as, g22_ad, g22_b, fc1_W, fc1_b, fc2_W, fc2_b)

if __name__ == "__main__":
    import jax
    _d = setup_inputs()
    print(jax.jit(kernel)(*tuple(_d.values())))

</pallas_src>

<mosaic_0001>
#map = affine_map<(d0, d1) -> (0)>
module attributes {stable_mosaic.version = 14 : i64} {
  func.func @k(%arg0: i32, %arg1: i32, %arg2: memref<4928xi32, #tpu.memory_space<hbm>>, %arg3: memref<4928xi32, #tpu.memory_space<hbm>>, %arg4: memref<8192xf32, #tpu.memory_space<hbm>>, %arg5: memref<262144xf32, #tpu.memory_space<hbm>>, %arg6: memref<4944xi32, #tpu.memory_space<vmem>>, %arg7: memref<4928xi32, #tpu.memory_space<vmem>>, %arg8: memref<8208xf32, #tpu.memory_space<vmem>>) attributes {dimension_semantics = [#tpu.dimension_semantics<core_parallel>, #tpu.dimension_semantics<subcore_parallel>], iteration_bounds = array<i64: 2, 16>, scalar_prefetch = 0 : i64, scratch_operands = 3 : i64, tpu.core_type = #tpu.core_type<sc_vector_subcore>, window_params = [{transform_indices = #map}, {transform_indices = #map}, {transform_indices = #map}, {transform_indices = #map}]} {
    %mul3A = arith.constant 2 : i32
    %mul3A_0 = arith.muli %arg1, %mul3A : i32
    %add3A = arith.addi %mul3A_0, %arg0 : i32
    %mul3A_1 = arith.constant 16 : i32
    %mul3A_2 = arith.muli %add3A, %mul3A_1 : i32
    "tpu.region"() ({
      %run_scoped3A = tpu.sem_alloc : memref<!tpu.dma_semaphore, #tpu.memory_space<semaphore_mem>>
      %dma_start3A = arith.constant 0 : i32
      %dma_start3A_73 = tpu.memref_slice %arg6[%dma_start3A] : memref<4944xi32, #tpu.memory_space<vmem>> -> memref<4928xi32, #tpu.memory_space<vmem>>
      %dma_start3A_74 = arith.constant 0 : i32
      %dma_start3A_75 = tpu.memref_slice %arg6[%dma_start3A_74] : memref<4944xi32, #tpu.memory_space<vmem>> -> memref<4928xi32, #tpu.memory_space<vmem>>
      tpu.enqueue_dma source(%arg2 : memref<4928xi32, #tpu.memory_space<hbm>>) target(%dma_start3A_75 : memref<4928xi32, #tpu.memory_space<vmem>>) target_semaphore(%run_scoped3A : memref<!tpu.dma_semaphore, #tpu.memory_space<semaphore_mem>>)
      %dma_wait3A = arith.constant 0 : i32
      %dma_wait3A_76 = tpu.memref_slice %arg6[%dma_wait3A] : memref<4944xi32, #tpu.memory_space<vmem>> -> memref<4928xi32, #tpu.memory_space<vmem>>
      %dma_wait3A_77 = arith.constant 0 : i32
      %dma_wait3A_78 = tpu.memref_slice %arg6[%dma_wait3A_77] : memref<4944xi32, #tpu.memory_space<vmem>> -> memref<4928xi32, #tpu.memory_space<vmem>>
      tpu.wait_dma2 semaphore(%run_scoped3A : memref<!tpu.dma_semaphore, #tpu.memory_space<semaphore_mem>>) src(%arg2 : memref<4928xi32, #tpu.memory_space<hbm>>) dst(%dma_wait3A_78 : memref<4928xi32, #tpu.memory_space<vmem>>)
      tpu.yield
    }) : () -> ()
    "tpu.region"() ({
      %run_scoped3A = tpu.sem_alloc : memref<!tpu.dma_semaphore, #tpu.memory_space<semaphore_mem>>
      tpu.enqueue_dma source(%arg3 : memref<4928xi32, #tpu.memory_space<hbm>>) target(%arg7 : memref<4928xi32, #tpu.memory_space<vmem>>) target_semaphore(%run_scoped3A : memref<!tpu.dma_semaphore, #tpu.memory_space<semaphore_mem>>)
      tpu.wait_dma2 semaphore(%run_scoped3A : memref<!tpu.dma_semaphore, #tpu.memory_space<semaphore_mem>>) src(%arg3 : memref<4928xi32, #tpu.memory_space<hbm>>) dst(%arg7 : memref<4928xi32, #tpu.memory_space<vmem>>)
      tpu.yield
    }) : () -> ()
    "tpu.region"() ({
      %run_scoped3A = tpu.sem_alloc : memref<!tpu.dma_semaphore, #tpu.memory_space<semaphore_mem>>
      %dma_start3A = arith.constant 0 : i32
      %dma_start3A_73 = tpu.memref_slice %arg8[%dma_start3A] : memref<8208xf32, #tpu.memory_space<vmem>> -> memref<8192xf32, #tpu.memory_space<vmem>>
      %dma_start3A_74 = arith.constant 0 : i32
      %dma_start3A_75 = tpu.memref_slice %arg8[%dma_start3A_74] : memref<8208xf32, #tpu.memory_space<vmem>> -> memref<8192xf32, #tpu.memory_space<vmem>>
      tpu.enqueue_dma source(%arg4 : memref<8192xf32, #tpu.memory_space<hbm>>) target(%dma_start3A_75 : memref<8192xf32, #tpu.memory_space<vmem>>) target_semaphore(%run_scoped3A : memref<!tpu.dma_semaphore, #tpu.memory_space<semaphore_mem>>)
      %dma_wait3A = arith.constant 0 : i32
      %dma_wait3A_76 = tpu.memref_slice %arg8[%dma_wait3A] : memref<8208xf32, #tpu.memory_space<vmem>> -> memref<8192xf32, #tpu.memory_space<vmem>>
      %dma_wait3A_77 = arith.constant 0 : i32
      %dma_wait3A_78 = tpu.memref_slice %arg8[%dma_wait3A_77] : memref<8208xf32, #tpu.memory_space<vmem>> -> memref<8192xf32, #tpu.memory_space<vmem>>
      tpu.wait_dma2 semaphore(%run_scoped3A : memref<!tpu.dma_semaphore, #tpu.memory_space<semaphore_mem>>) src(%arg4 : memref<8192xf32, #tpu.memory_space<hbm>>) dst(%dma_wait3A_78 : memref<8192xf32, #tpu.memory_space<vmem>>)
      tpu.yield
    }) : () -> ()
    %broadcast_in_dim3A = arith.constant 1.000000e+00 : f32
    %broadcast_in_dim3A_3 = vector.broadcast %broadcast_in_dim3A : f32 to vector<16xf32>
    %scan3A = arith.constant 0 : i32
    %scan3A_4 = arith.constant 4928 : i32
    %scan3A_5 = arith.constant 0 : i32
    %scan3A_6 = arith.constant 14 : i32
    %scan3A_7 = arith.addi %scan3A_5, %scan3A_6 : i32
    %scan3A_8 = arith.constant 1 : i32
    %scan3A_9:2 = scf.for %scan3A_73 = %scan3A_5 to %scan3A_7 step %scan3A_8 iter_args(%scan3A_74 = %scan3A, %scan3A_75 = %scan3A_4) -> (i32, i32)  : i32 {
      %add3A_76 = arith.addi %scan3A_74, %scan3A_75 : i32
      %jit3A_77 = arith.constant 2 : i32
      %div3A_78 = arith.divsi %add3A_76, %jit3A_77 : i32
      %sign3A_79 = arith.constant 0 : i32
      %sign3A_80 = arith.cmpi sgt, %add3A_76, %sign3A_79 : i32
      %sign3A_81 = arith.extui %sign3A_80 : i1 to i32
      %sign3A_82 = arith.constant 0 : i32
      %sign3A_83 = arith.cmpi slt, %add3A_76, %sign3A_82 : i32
      %sign3A_84 = arith.extui %sign3A_83 : i1 to i32
      %sign3A_85 = arith.subi %sign3A_81, %sign3A_84 : i32
      %sign3A_86 = arith.constant 0 : i32
      %sign3A_87 = arith.cmpi sgt, %jit3A_77, %sign3A_86 : i32
      %sign3A_88 = arith.extui %sign3A_87 : i1 to i32
      %sign3A_89 = arith.constant 0 : i32
      %sign3A_90 = arith.cmpi slt, %jit3A_77, %sign3A_89 : i32
      %sign3A_91 = arith.extui %sign3A_90 : i1 to i32
      %sign3A_92 = arith.subi %sign3A_88, %sign3A_91 : i32
      %ne3A_93 = arith.cmpi ne, %sign3A_85, %sign3A_92 : i32
      %rem3A_94 = arith.remsi %add3A_76, %jit3A_77 : i32
      %ne3A_95 = arith.constant 0 : i32
      %ne3A_96 = arith.cmpi ne, %rem3A_94, %ne3A_95 : i32
      %and3A_97 = arith.andi %ne3A_93, %ne3A_96 : i1
      %sub3A_98 = arith.constant 1 : i32
      %sub3A_99 = arith.subi %div3A_78, %sub3A_98 : i32
      %select_n3A_100 = arith.select %and3A_97, %sub3A_99, %div3A_78 : i32
      %get3A = arith.index_cast %select_n3A_100 : i32 to index
      %get3A_101 = tpu.vector_load %arg6[%get3A] {strides = array<i32>} : memref<4944xi32, #tpu.memory_space<vmem>>, vector<16xi32>,
      %slice3A = vector.extract_strided_slice %get3A_101 {offsets = [0], sizes = [1], strides = [1]} : vector<16xi32> to vector<1xi32>
      %squeeze3A = vector.extract %slice3A[0] : i32 from vector<1xi32>
      %lt3A = arith.cmpi slt, %squeeze3A, %mul3A_2 : i32
      %add3A_102 = arith.constant 1 : i32
      %add3A_103 = arith.addi %select_n3A_100, %add3A_102 : i32
      %select_n3A_104 = arith.select %lt3A, %add3A_103, %scan3A_74 : i32
      %select_n3A_105 = arith.select %lt3A, %scan3A_75, %select_n3A_100 : i32
      %lt3A_106 = arith.cmpi slt, %scan3A_74, %scan3A_75 : i32
      %select_n3A_107 = arith.select %lt3A_106, %select_n3A_104, %scan3A_74 : i32
      %select_n3A_108 = arith.select %lt3A_106, %select_n3A_105, %scan3A_75 : i32
      scf.yield %select_n3A_107, %select_n3A_108 : i32, i32
    }
    %scan3A_10 = arith.constant 14 : i32
    %jit3A = arith.constant 16 : i32
    %div3A = arith.divsi %scan3A_9#0, %jit3A : i32
    %sign3A = arith.constant 0 : i32
    %sign3A_11 = arith.cmpi sgt, %scan3A_9#0, %sign3A : i32
    %sign3A_12 = arith.extui %sign3A_11 : i1 to i32
    %sign3A_13 = arith.constant 0 : i32
    %sign3A_14 = arith.cmpi slt, %scan3A_9#0, %sign3A_13 : i32
    %sign3A_15 = arith.extui %sign3A_14 : i1 to i32
    %sign3A_16 = arith.subi %sign3A_12, %sign3A_15 : i32
    %sign3A_17 = arith.constant 0 : i32
    %sign3A_18 = arith.cmpi sgt, %jit3A, %sign3A_17 : i32
    %sign3A_19 = arith.extui %sign3A_18 : i1 to i32
    %sign3A_20 = arith.constant 0 : i32
    %sign3A_21 = arith.cmpi slt, %jit3A, %sign3A_20 : i32
    %sign3A_22 = arith.extui %sign3A_21 : i1 to i32
    %sign3A_23 = arith.subi %sign3A_19, %sign3A_22 : i32
    %ne3A = arith.cmpi ne, %sign3A_16, %sign3A_23 : i32
    %rem3A = arith.remsi %scan3A_9#0, %jit3A : i32
    %ne3A_24 = arith.constant 0 : i32
    %ne3A_25 = arith.cmpi ne, %rem3A, %ne3A_24 : i32
    %and3A = arith.andi %ne3A, %ne3A_25 : i1
    %sub3A = arith.constant 1 : i32
    %sub3A_26 = arith.subi %div3A, %sub3A : i32
    %select_n3A = arith.select %and3A, %sub3A_26, %div3A : i32
    %add3A_27 = arith.constant 16 : i32
    %add3A_28 = arith.addi %mul3A_2, %add3A_27 : i32
    %scan3A_29 = arith.constant 0 : i32
    %scan3A_30 = arith.constant 4928 : i32
    %scan3A_31 = arith.constant 0 : i32
    %scan3A_32 = arith.constant 14 : i32
    %scan3A_33 = arith.addi %scan3A_31, %scan3A_32 : i32
    %scan3A_34 = arith.constant 1 : i32
    %scan3A_35:2 = scf.for %scan3A_73 = %scan3A_31 to %scan3A_33 step %scan3A_34 iter_args(%scan3A_74 = %scan3A_29, %scan3A_75 = %scan3A_30) -> (i32, i32)  : i32 {
      %add3A_76 = arith.addi %scan3A_74, %scan3A_75 : i32
      %jit3A_77 = arith.constant 2 : i32
      %div3A_78 = arith.divsi %add3A_76, %jit3A_77 : i32
      %sign3A_79 = arith.constant 0 : i32
      %sign3A_80 = arith.cmpi sgt, %add3A_76, %sign3A_79 : i32
      %sign3A_81 = arith.extui %sign3A_80 : i1 to i32
      %sign3A_82 = arith.constant 0 : i32
      %sign3A_83 = arith.cmpi slt, %add3A_76, %sign3A_82 : i32
      %sign3A_84 = arith.extui %sign3A_83 : i1 to i32
      %sign3A_85 = arith.subi %sign3A_81, %sign3A_84 : i32
      %sign3A_86 = arith.constant 0 : i32
      %sign3A_87 = arith.cmpi sgt, %jit3A_77, %sign3A_86 : i32
      %sign3A_88 = arith.extui %sign3A_87 : i1 to i32
      %sign3A_89 = arith.constant 0 : i32
      %sign3A_90 = arith.cmpi slt, %jit3A_77, %sign3A_89 : i32
      %sign3A_91 = arith.extui %sign3A_90 : i1 to i32
      %sign3A_92 = arith.subi %sign3A_88, %sign3A_91 : i32
      %ne3A_93 = arith.cmpi ne, %sign3A_85, %sign3A_92 : i32
      %rem3A_94 = arith.remsi %add3A_76, %jit3A_77 : i32
      %ne3A_95 = arith.constant 0 : i32
      %ne3A_96 = arith.cmpi ne, %rem3A_94, %ne3A_95 : i32
      %and3A_97 = arith.andi %ne3A_93, %ne3A_96 : i1
      %sub3A_98 = arith.constant 1 : i32
      %sub3A_99 = arith.subi %div3A_78, %sub3A_98 : i32
      %select_n3A_100 = arith.select %and3A_97, %sub3A_99, %div3A_78 : i32
      %get3A = arith.index_cast %select_n3A_100 : i32 to index
      %get3A_101 = tpu.vector_load %arg6[%get3A] {strides = array<i32>} : memref<4944xi32, #tpu.memory_space<vmem>>, vector<16xi32>,
      %slice3A = vector.extract_strided_slice %get3A_101 {offsets = [0], sizes = [1], strides = [1]} : vector<16xi32> to vector<1xi32>
      %squeeze3A = vector.extract %slice3A[0] : i32 from vector<1xi32>
      %lt3A = arith.cmpi slt, %squeeze3A, %add3A_28 : i32
      %add3A_102 = arith.constant 1 : i32
      %add3A_103 = arith.addi %select_n3A_100, %add3A_102 : i32
      %select_n3A_104 = arith.select %lt3A, %add3A_103, %scan3A_74 : i32
      %select_n3A_105 = arith.select %lt3A, %scan3A_75, %select_n3A_100 : i32
      %lt3A_106 = arith.cmpi slt, %scan3A_74, %scan3A_75 : i32
      %select_n3A_107 = arith.select %lt3A_106, %select_n3A_104, %scan3A_74 : i32
      %select_n3A_108 = arith.select %lt3A_106, %select_n3A_105, %scan3A_75 : i32
      scf.yield %select_n3A_107, %select_n3A_108 : i32, i32
    }
    %scan3A_36 = arith.constant 14 : i32
    %add3A_37 = arith.constant 15 : i32
    %add3A_38 = arith.addi %scan3A_35#0, %add3A_37 : i32
    %jit3A_39 = arith.constant 16 : i32
    %div3A_40 = arith.divsi %add3A_38, %jit3A_39 : i32
    %sign3A_41 = arith.constant 0 : i32
    %sign3A_42 = arith.cmpi sgt, %add3A_38, %sign3A_41 : i32
    %sign3A_43 = arith.extui %sign3A_42 : i1 to i32
    %sign3A_44 = arith.constant 0 : i32
    %sign3A_45 = arith.cmpi slt, %add3A_38, %sign3A_44 : i32
    %sign3A_46 = arith.extui %sign3A_45 : i1 to i32
    %sign3A_47 = arith.subi %sign3A_43, %sign3A_46 : i32
    %sign3A_48 = arith.constant 0 : i32
    %sign3A_49 = arith.cmpi sgt, %jit3A_39, %sign3A_48 : i32
    %sign3A_50 = arith.extui %sign3A_49 : i1 to i32
    %sign3A_51 = arith.constant 0 : i32
    %sign3A_52 = arith.cmpi slt, %jit3A_39, %sign3A_51 : i32
    %sign3A_53 = arith.extui %sign3A_52 : i1 to i32
    %sign3A_54 = arith.subi %sign3A_50, %sign3A_53 : i32
    %ne3A_55 = arith.cmpi ne, %sign3A_47, %sign3A_54 : i32
    %rem3A_56 = arith.remsi %add3A_38, %jit3A_39 : i32
    %ne3A_57 = arith.constant 0 : i32
    %ne3A_58 = arith.cmpi ne, %rem3A_56, %ne3A_57 : i32
    %and3A_59 = arith.andi %ne3A_55, %ne3A_58 : i1
    %sub3A_60 = arith.constant 1 : i32
    %sub3A_61 = arith.subi %div3A_40, %sub3A_60 : i32
    %select_n3A_62 = arith.select %and3A_59, %sub3A_61, %div3A_40 : i32
    %while3A = arith.constant 0 : i32
    %while3A_63 = arith.subi %select_n3A_62, %select_n3A : i32
    %while3A_64 = arith.addi %select_n3A, %while3A_63 : i32
    %while3A_65 = arith.constant 1 : i32
    %while3A_66 = arith.divsi %while3A_63, %while3A_65 : i32
    %while3A_67 = arith.muli %while3A_66, %while3A_65 : i32
    %while3A_68 = arith.addi %select_n3A, %while3A_67 : i32
    %while3A_69 = arith.constant 1 : i32
    scf.for %while3A_73 = %select_n3A to %while3A_68 step %while3A_69  : i32 {
      %mul3A_74 = arith.constant 16 : i32
      %mul3A_75 = arith.muli %while3A_73, %mul3A_74 : i32
      %get3A = arith.index_cast %mul3A_75 : i32 to index
      %get3A_76 = tpu.vector_load %arg6[%get3A] {strides = array<i32>} : memref<4944xi32, #tpu.memory_space<vmem>>, vector<16xi32>,
      %mul3A_77 = arith.constant 16 : i32
      %mul3A_78 = arith.muli %while3A_73, %mul3A_77 : i32
      %get3A_79 = arith.index_cast %mul3A_78 : i32 to index
      %get3A_80 = tpu.vector_load %arg7[%get3A_79] {strides = array<i32>} : memref<4928xi32, #tpu.memory_space<vmem>>, vector<16xi32>,
      %ge3A = vector.broadcast %mul3A_2 : i32 to vector<16xi32>
      %ge3A_81 = arith.cmpi sge, %get3A_76, %ge3A : vector<16xi32>
      %add3A_82 = arith.constant 16 : i32
      %add3A_83 = arith.addi %mul3A_2, %add3A_82 : i32
      %lt3A = vector.broadcast %add3A_83 : i32 to vector<16xi32>
      %lt3A_84 = arith.cmpi slt, %get3A_76, %lt3A : vector<16xi32>
      %and3A_85 = arith.andi %ge3A_81, %lt3A_84 : vector<16xi1>
      %sub3A_86 = vector.broadcast %mul3A_2 : i32 to vector<16xi32>
      %sub3A_87 = arith.subi %get3A_76, %sub3A_86 : vector<16xi32>
      %mul3A_88 = arith.constant 512 : i32
      %mul3A_89 = vector.broadcast %mul3A_88 : i32 to vector<16xi32>
      %mul3A_90 = arith.muli %sub3A_87, %mul3A_89 : vector<16xi32>
      %add3A_91 = arith.addi %mul3A_90, %get3A_80 : vector<16xi32>
      %jit3A_92 = arith.constant 8192 : i32
      %broadcast_in_dim3A_93 = vector.broadcast %jit3A_92 : i32 to vector<16xi32>
      %select_n3A_94 = arith.select %and3A_85, %add3A_91, %broadcast_in_dim3A_93 : vector<16xi1>, vector<16xi32>
      tpu.vector_store_idx %arg8[%select_n3A_94], %broadcast_in_dim3A_3 : memref<8208xf32, #tpu.memory_space<vmem>>[vector<16xi32>], vector<16xf32>,
    }
    %while3A_70 = arith.constant 1 : i32
    scf.for %while3A_73 = %while3A_68 to %while3A_64 step %while3A_70  : i32 {
      %mul3A_74 = arith.constant 16 : i32
      %mul3A_75 = arith.muli %while3A_73, %mul3A_74 : i32
      %get3A = arith.index_cast %mul3A_75 : i32 to index
      %get3A_76 = tpu.vector_load %arg6[%get3A] {strides = array<i32>} : memref<4944xi32, #tpu.memory_space<vmem>>, vector<16xi32>,
      %mul3A_77 = arith.constant 16 : i32
      %mul3A_78 = arith.muli %while3A_73, %mul3A_77 : i32
      %get3A_79 = arith.index_cast %mul3A_78 : i32 to index
      %get3A_80 = tpu.vector_load %arg7[%get3A_79] {strides = array<i32>} : memref<4928xi32, #tpu.memory_space<vmem>>, vector<16xi32>,
      %ge3A = vector.broadcast %mul3A_2 : i32 to vector<16xi32>
      %ge3A_81 = arith.cmpi sge, %get3A_76, %ge3A : vector<16xi32>
      %add3A_82 = arith.constant 16 : i32
      %add3A_83 = arith.addi %mul3A_2, %add3A_82 : i32
      %lt3A = vector.broadcast %add3A_83 : i32 to vector<16xi32>
      %lt3A_84 = arith.cmpi slt, %get3A_76, %lt3A : vector<16xi32>
      %and3A_85 = arith.andi %ge3A_81, %lt3A_84 : vector<16xi1>
      %sub3A_86 = vector.broadcast %mul3A_2 : i32 to vector<16xi32>
      %sub3A_87 = arith.subi %get3A_76, %sub3A_86 : vector<16xi32>
      %mul3A_88 = arith.constant 512 : i32
      %mul3A_89 = vector.broadcast %mul3A_88 : i32 to vector<16xi32>
      %mul3A_90 = arith.muli %sub3A_87, %mul3A_89 : vector<16xi32>
      %add3A_91 = arith.addi %mul3A_90, %get3A_80 : vector<16xi32>
      %jit3A_92 = arith.constant 8192 : i32
      %broadcast_in_dim3A_93 = vector.broadcast %jit3A_92 : i32 to vector<16xi32>
      %select_n3A_94 = arith.select %and3A_85, %add3A_91, %broadcast_in_dim3A_93 : vector<16xi1>, vector<16xi32>
      tpu.vector_store_idx %arg8[%select_n3A_94], %broadcast_in_dim3A_3 : memref<8208xf32, #tpu.memory_space<vmem>>[vector<16xi32>], vector<16xf32>,
    }
    %mul3A_71 = arith.constant 512 : i32
    %mul3A_72 = arith.muli %mul3A_2, %mul3A_71 : i32
    "tpu.region"() ({
      %run_scoped3A = tpu.sem_alloc : memref<!tpu.dma_semaphore, #tpu.memory_space<semaphore_mem>>
      %dma_start3A = arith.constant 0 : i32
      %dma_start3A_73 = tpu.memref_slice %arg8[%dma_start3A] : memref<8208xf32, #tpu.memory_space<vmem>> -> memref<8192xf32, #tpu.memory_space<vmem>>
      %dma_start3A_74 = tpu.memref_slice %arg5[%mul3A_72] : memref<262144xf32, #tpu.memory_space<hbm>> -> memref<8192xf32, #tpu.memory_space<hbm>>
      %dma_start3A_75 = tpu.memref_slice %arg5[%mul3A_72] : memref<262144xf32, #tpu.memory_space<hbm>> -> memref<8192xf32, #tpu.memory_space<hbm>>
      %dma_start3A_76 = arith.constant 0 : i32
      %dma_start3A_77 = tpu.memref_slice %arg8[%dma_start3A_76] : memref<8208xf32, #tpu.memory_space<vmem>> -> memref<8192xf32, #tpu.memory_space<vmem>>
      tpu.enqueue_dma source(%dma_start3A_77 : memref<8192xf32, #tpu.memory_space<vmem>>) target(%dma_start3A_75 : memref<8192xf32, #tpu.memory_space<hbm>>) target_semaphore(%run_scoped3A : memref<!tpu.dma_semaphore, #tpu.memory_space<semaphore_mem>>)
      %dma_wait3A = arith.constant 0 : i32
      %dma_wait3A_78 = tpu.memref_slice %arg8[%dma_wait3A] : memref<8208xf32, #tpu.memory_space<vmem>> -> memref<8192xf32, #tpu.memory_space<vmem>>
      %dma_wait3A_79 = tpu.memref_slice %arg5[%mul3A_72] : memref<262144xf32, #tpu.memory_space<hbm>> -> memref<8192xf32, #tpu.memory_space<hbm>>
      %dma_wait3A_80 = tpu.memref_slice %arg5[%mul3A_72] : memref<262144xf32, #tpu.memory_space<hbm>> -> memref<8192xf32, #tpu.memory_space<hbm>>
      %dma_wait3A_81 = arith.constant 0 : i32
      %dma_wait3A_82 = tpu.memref_slice %arg8[%dma_wait3A_81] : memref<8208xf32, #tpu.memory_space<vmem>> -> memref<8192xf32, #tpu.memory_space<vmem>>
      tpu.wait_dma2 semaphore(%run_scoped3A : memref<!tpu.dma_semaphore, #tpu.memory_space<semaphore_mem>>) src(%dma_wait3A_82 : memref<8192xf32, #tpu.memory_space<vmem>>) dst(%dma_wait3A_80 : memref<8192xf32, #tpu.memory_space<hbm>>)
      tpu.yield
    }) : () -> ()
    return
  }
}

module attributes {stable_mosaic.version = 14 : i64} {
  func.func @_gat_body(%arg0: i32, %arg1: memref<4x1x500x128xf32, #tpu.memory_space<vmem>>, %arg2: memref<4x1x500x128xf32, #tpu.memory_space<vmem>>, %arg3: memref<4x1x64xf32, #tpu.memory_space<vmem>>, %arg4: memref<128x64xf32, #tpu.memory_space<vmem>>, %arg5: memref<1x128xf32, #tpu.memory_space<vmem>>, %arg6: memref<128x64xf32, #tpu.memory_space<vmem>>, %arg7: memref<1x128xf32, #tpu.memory_space<vmem>>, %arg8: memref<512x512xf32, #tpu.memory_space<vmem>>, %arg9: memref<64x128xf32, #tpu.memory_space<vmem>>, %arg10: memref<1x64xf32, #tpu.memory_space<vmem>>, %arg11: memref<1x64xf32, #tpu.memory_space<vmem>>, %arg12: memref<1x64xf32, #tpu.memory_space<vmem>>, %arg13: memref<64x64xf32, #tpu.memory_space<vmem>>, %arg14: memref<1x64xf32, #tpu.memory_space<vmem>>, %arg15: memref<1x64xf32, #tpu.memory_space<vmem>>, %arg16: memref<1x64xf32, #tpu.memory_space<vmem>>, %arg17: memref<64x128xf32, #tpu.memory_space<vmem>>, %arg18: memref<1x64xf32, #tpu.memory_space<vmem>>, %arg19: memref<1x64xf32, #tpu.memory_space<vmem>>, %arg20: memref<1x64xf32, #tpu.memory_space<vmem>>, %arg21: memref<64x64xf32, #tpu.memory_space<vmem>>, %arg22: memref<1x64xf32, #tpu.memory_space<vmem>>, %arg23: memref<1x64xf32, #tpu.memory_space<vmem>>, %arg24: memref<1x64xf32, #tpu.memory_space<vmem>>, %arg25: memref<4x2x501x64xf32, #tpu.memory_space<vmem>>, %arg26: memref<512x512xf32, #tpu.memory_space<vmem>>) attributes {dimension_semantics = [#tpu.dimension_semantics<arbitrary>], iteration_bounds = array<i64: 16>, scalar_prefetch = 0 : i64, scratch_operands = 1 : i64, tpu.core_type = #tpu.core_type<tc>, window_params = [{transform_indices = @transform_0, window_bounds = array<i64: 4, 1, 500, 128>}, {transform_indices = @transform_1, window_bounds = array<i64: 4, 1, 500, 128>}, {transform_indices = @transform_2, window_bounds = array<i64: 4, 1, 64>}, {pipeline_mode = #tpu.pipeline_mode<synchronous>, transform_indices = @transform_3, window_bounds = array<i64: 128, 64>}, {pipeline_mode = #tpu.pipeline_mode<synchronous>, transform_indices = @transform_4, window_bounds = array<i64: 1, 128>}, {pipeline_mode = #tpu.pipeline_mode<synchronous>, transform_indices = @transform_5, window_bounds = array<i64: 128, 64>}, {pipeline_mode = #tpu.pipeline_mode<synchronous>, transform_indices = @transform_6, window_bounds = array<i64: 1, 128>}, {pipeline_mode = #tpu.pipeline_mode<synchronous>, transform_indices = @transform_7, window_bounds = array<i64: 512, 512>}, {pipeline_mode = #tpu.pipeline_mode<synchronous>, transform_indices = @transform_8, window_bounds = array<i64: 64, 128>}, {pipeline_mode = #tpu.pipeline_mode<synchronous>, transform_indices = @transform_9, window_bounds = array<i64: 1, 64>}, {pipeline_mode = #tpu.pipeline_mode<synchronous>, transform_indices = @transform_10, window_bounds = array<i64: 1, 64>}, {pipeline_mode = #tpu.pipeline_mode<synchronous>, transform_indices = @transform_11, window_bounds = array<i64: 1, 64>}, {pipeline_mode = #tpu.pipeline_mode<synchronous>, transform_indices = @transform_12, window_bounds = array<i64: 64, 64>}, {pipeline_mode = #tpu.pipeline_mode<synchronous>, transform_indices = @transform_13, window_bounds = array<i64: 1, 64>}, {pipeline_mode = #tpu.pipeline_mode<synchronous>, transform_indices = @transform_14, window_bounds = array<i64: 1, 64>}, {pipeline_mode = #tpu.pipeline_mode<synchronous>, transform_indices = @transform_15, window_bounds = array<i64: 1, 64>}, {pipeline_mode = #tpu.pipeline_mode<synchronous>, transform_indices = @transform_16, window_bounds = array<i64: 64, 128>}, {pipeline_mode = #tpu.pipeline_mode<synchronous>, transform_indices = @transform_17, window_bounds = array<i64: 1, 64>}, {pipeline_mode = #tpu.pipeline_mode<synchronous>, transform_indices = @transform_18, window_bounds = array<i64: 1, 64>}, {pipeline_mode = #tpu.pipeline_mode<synchronous>, transform_indices = @transform_19, window_bounds = array<i64: 1, 64>}, {pipeline_mode = #tpu.pipeline_mode<synchronous>, transform_indices = @transform_20, window_bounds = array<i64: 64, 64>}, {pipeline_mode = #tpu.pipeline_mode<synchronous>, transform_indices = @transform_21, window_bounds = array<i64: 1, 64>}, {pipeline_mode = #tpu.pipeline_mode<synchronous>, transform_indices = @transform_22, window_bounds = array<i64: 1, 64>}, {pipeline_mode = #tpu.pipeline_mode<synchronous>, transform_indices = @transform_23, window_bounds = array<i64: 1, 64>}, {transform_indices = @transform_24, window_bounds = array<i64: 4, 2, 501, 64>}]} {
    %eq3A = arith.constant 0 : i32
    %eq3A_0 = arith.cmpi eq, %arg0, %eq3A : i32
    %convert_element_type3A = arith.extui %eq3A_0 : i1 to i32
    %cond3A = arith.constant 0 : i32
    %cond3A_1 = arith.cmpi ne, %convert_element_type3A, %cond3A : i32
    scf.if %cond3A_1 {
      %iota3A = tpu.iota {dimensions = array<i32: 0>} : vector<512x512xi32>
      %iota3A_1134 = tpu.iota {dimensions = array<i32: 1>} : vector<512x512xi32>
      %eq3A_1135 = arith.cmpi eq, %iota3A, %iota3A_1134 : vector<512x512xi32>
      %get3A_1136 = arith.constant 0 : index
      %get3A_1137 = arith.constant 0 : index
      %get3A_1138 = vector.load %arg8[%get3A_1136, %get3A_1137] : memref<512x512xf32, #tpu.memory_space<vmem>>, vector<512x512xf32>
      %transpose3A = tpu.transpose %get3A_1138, [1, 0] : vector<512x512xf32> -> vector<512x512xf32>
      %convert_element_type3A_1139 = arith.extui %eq3A_1135 : vector<512x512xi1> to vector<512x512xi32>
      %convert_element_type3A_1140 = arith.sitofp %convert_element_type3A_1139 : vector<512x512xi32> to vector<512x512xf32>
      %add3A_1141 = arith.addf %transpose3A, %convert_element_type3A_1140 : vector<512x512xf32>
      %gt3A_1142 = arith.constant 0.000000e+00 : f32
      %gt3A_1143 = vector.broadcast %gt3A_1142 : f32 to vector<512x512xf32>
      %gt3A_1144 = arith.cmpf ogt, %add3A_1141, %gt3A_1143 : vector<512x512xf32>
      %log3A = math.log %add3A_1141 : vector<512x512xf32>
      %log3A_1145 = arith.constant 2.000000e+00 : f32
      %log3A_1146 = math.log %log3A_1145 : f32
      %div3A_1147 = vector.broadcast %log3A_1146 : f32 to vector<512x512xf32>
      %div3A_1148 = arith.divf %log3A, %div3A_1147 : vector<512x512xf32>
      %jit3A = arith.constant -1.000000e+30 : f32
      %broadcast_in_dim3A_1149 = vector.broadcast %jit3A : f32 to vector<512x512xf32>
      %select_n3A_1150 = arith.select %gt3A_1144, %div3A_1148, %broadcast_in_dim3A_1149 : vector<512x512xi1>, vector<512x512xf32>
      %swap3A_1151 = arith.constant 0 : index
      %swap3A_1152 = arith.constant 0 : index
      %swap3A_1153 = vector.load %arg26[%swap3A_1151, %swap3A_1152] : memref<512x512xf32, #tpu.memory_space<vmem>>, vector<512x512xf32>
      tpu.vector_store %arg26[%swap3A_1151, %swap3A_1152], %select_n3A_1150 {strides = array<i32>} : memref<512x512xf32, #tpu.memory_space<vmem>>, vector<512x512xf32>,
    } else {
    }
    %get3A = arith.constant 0 : index
    %get3A_2 = arith.constant 0 : index
    %get3A_3 = vector.load %arg26[%get3A, %get3A_2] : memref<512x512xf32, #tpu.memory_space<vmem>>, vector<512x512xf32>
    %broadcast_in_dim3A = arith.constant 0.000000e+00 : f32
    %broadcast_in_dim3A_4 = vector.broadcast %broadcast_in_dim3A : f32 to vector<11x128xf32>
    %get3A_5 = arith.constant 0 : index
    %get3A_6 = arith.constant 0 : index
    %get3A_7 = arith.constant 0 : index
    %get3A_8 = vector.load %arg3[%get3A_5, %get3A_6, %get3A_7] : memref<4x1x64xf32, #tpu.memory_space<vmem>>, vector<1x1x64xf32>
    %get3A_9 = vector.shape_cast %get3A_8 : vector<1x1x64xf32> to vector<1x64xf32>
    %get3A_10 = arith.constant 0 : index
    %get3A_11 = arith.constant 0 : index
    %get3A_12 = vector.load %arg4[%get3A_10, %get3A_11] : memref<128x64xf32, #tpu.memory_space<vmem>>, vector<128x64xf32>
    %dot_general3A = arith.constant dense<0.000000e+00> : vector<1x128xf32>
    %dot_general3A_13 = tpu.matmul %get3A_9, %get3A_12, %dot_general3A {dimension_numbers = #tpu.dot_dimension_numbers<[1], [1], [0], [0], [0, 0, 1, 0], [], []>, transpose_lhs_hint = false} : vector<1x64xf32>, vector<128x64xf32>, vector<1x128xf32> -> vector<1x128xf32>
    %get3A_14 = arith.constant 0 : index
    %get3A_15 = arith.constant 0 : index
    %get3A_16 = vector.load %arg5[%get3A_14, %get3A_15] : memref<1x128xf32, #tpu.memory_space<vmem>>, vector<1x128xf32>
    %add3A = arith.addf %dot_general3A_13, %get3A_16 : vector<1x128xf32>
    %get3A_17 = arith.constant 0 : index
    %get3A_18 = arith.constant 0 : index
    %get3A_19 = vector.load %arg6[%get3A_17, %get3A_18] : memref<128x64xf32, #tpu.memory_space<vmem>>, vector<128x64xf32>
    %dot_general3A_20 = arith.constant dense<0.000000e+00> : vector<1x128xf32>
    %dot_general3A_21 = tpu.matmul %get3A_9, %get3A_19, %dot_general3A_20 {dimension_numbers = #tpu.dot_dimension_numbers<[1], [1], [0], [0], [0, 0, 1, 0], [], []>, transpose_lhs_hint = false} : vector<1x64xf32>, vector<128x64xf32>, vector<1x128xf32> -> vector<1x128xf32>
    %get3A_22 = arith.constant 0 : index
    %get3A_23 = arith.constant 0 : index
    %get3A_24 = vector.load %arg7[%get3A_22, %get3A_23] : memref<1x128xf32, #tpu.memory_space<vmem>>, vector<1x128xf32>
    %add3A_25 = arith.addf %dot_general3A_21, %get3A_24 : vector<1x128xf32>
    %get3A_26 = arith.constant 0 : index
    %get3A_27 = arith.constant 0 : index
    %get3A_28 = arith.constant 0 : index
    %get3A_29 = arith.constant 0 : index
    %get3A_30 = vector.load %arg1[%get3A_26, %get3A_27, %get3A_28, %get3A_29] : memref<4x1x500x128xf32, #tpu.memory_space<vmem>>, vector<1x1x500x128xf32>
    %get3A_31 = vector.shape_cast %get3A_30 : vector<1x1x500x128xf32> to vector<500x128xf32>
    %concatenate3A = tpu.concatenate %get3A_31, %add3A, %broadcast_in_dim3A_4 in 0 : vector<500x128xf32>, vector<1x128xf32>, vector<11x128xf32> -> vector<512x128xf32>
    %get3A_32 = arith.constant 0 : index
    %get3A_33 = arith.constant 0 : index
    %get3A_34 = arith.constant 0 : index
    %get3A_35 = arith.constant 0 : index
    %get3A_36 = vector.load %arg2[%get3A_32, %get3A_33, %get3A_34, %get3A_35] : memref<4x1x500x128xf32, #tpu.memory_space<vmem>>, vector<1x1x500x128xf32>
    %get3A_37 = vector.shape_cast %get3A_36 : vector<1x1x500x128xf32> to vector<500x128xf32>
    %concatenate3A_38 = tpu.concatenate %get3A_37, %add3A_25, %broadcast_in_dim3A_4 in 0 : vector<500x128xf32>, vector<1x128xf32>, vector<11x128xf32> -> vector<512x128xf32>
    %get3A_39 = arith.constant 0 : index
    %get3A_40 = arith.constant 0 : index
    %get3A_41 = vector.load %arg9[%get3A_39, %get3A_40] : memref<64x128xf32, #tpu.memory_space<vmem>>, vector<64x128xf32>
    %dot_general3A_42 = arith.constant dense<0.000000e+00> : vector<512x64xf32>
    %dot_general3A_43 = tpu.matmul %concatenate3A, %get3A_41, %dot_general3A_42 {dimension_numbers = #tpu.dot_dimension_numbers<[1], [1], [0], [0], [0, 0, 1, 0], [], []>, transpose_lhs_hint = false} : vector<512x128xf32>, vector<64x128xf32>, vector<512x64xf32> -> vector<512x64xf32>
    %get3A_44 = arith.constant 0 : index
    %get3A_45 = arith.constant 0 : index
    %get3A_46 = vector.load %arg10[%get3A_44, %get3A_45] : memref<1x64xf32, #tpu.memory_space<vmem>>, vector<1x64xf32>
    %dot_general3A_47 = arith.constant dense<0.000000e+00> : vector<1x512xf32>
    %dot_general3A_48 = tpu.matmul %get3A_46, %dot_general3A_43, %dot_general3A_47 {dimension_numbers = #tpu.dot_dimension_numbers<[1], [1], [0], [0], [0, 0, 1, 0], [], []>, transpose_lhs_hint = false} : vector<1x64xf32>, vector<512x64xf32>, vector<1x512xf32> -> vector<1x512xf32>
    %mul3A = arith.constant 1.44269502 : f32
    %mul3A_49 = vector.broadcast %mul3A : f32 to vector<1x512xf32>
    %mul3A_50 = arith.mulf %dot_general3A_48, %mul3A_49 : vector<1x512xf32>
    %get3A_51 = arith.constant 0 : index
    %get3A_52 = arith.constant 0 : index
    %get3A_53 = vector.load %arg11[%get3A_51, %get3A_52] : memref<1x64xf32, #tpu.memory_space<vmem>>, vector<1x64xf32>
    %dot_general3A_54 = arith.constant dense<0.000000e+00> : vector<1x512xf32>
    %dot_general3A_55 = tpu.matmul %get3A_53, %dot_general3A_43, %dot_general3A_54 {dimension_numbers = #tpu.dot_dimension_numbers<[1], [1], [0], [0], [0, 0, 1, 0], [], []>, transpose_lhs_hint = false} : vector<1x64xf32>, vector<512x64xf32>, vector<1x512xf32> -> vector<1x512xf32>
    %mul3A_56 = arith.constant 1.44269502 : f32
    %mul3A_57 = vector.broadcast %mul3A_56 : f32 to vector<1x512xf32>
    %mul3A_58 = arith.mulf %dot_general3A_55, %mul3A_57 : vector<1x512xf32>
    %reshape3A = vector.shape_cast %mul3A_58 : vector<1x512xf32> to vector<512x1xf32>
    %add3A_59 = vector.broadcast %mul3A_50 : vector<1x512xf32> to vector<512x512xf32>
    %add3A_60 = vector.broadcast %reshape3A : vector<512x1xf32> to vector<512x512xf32>
    %add3A_61 = arith.addf %add3A_59, %add3A_60 : vector<512x512xf32>
    %gt3A = arith.constant 0.000000e+00 : f32
    %gt3A_62 = vector.broadcast %gt3A : f32 to vector<512x512xf32>
    %gt3A_63 = arith.cmpf ogt, %add3A_61, %gt3A_62 : vector<512x512xf32>
    %mul3A_64 = arith.constant 2.000000e-01 : f32
    %mul3A_65 = vector.broadcast %mul3A_64 : f32 to vector<512x512xf32>
    %mul3A_66 = arith.mulf %mul3A_65, %add3A_61 : vector<512x512xf32>
    %select_n3A = arith.select %gt3A_63, %add3A_61, %mul3A_66 : vector<512x512xi1>, vector<512x512xf32>
    %add3A_67 = arith.addf %select_n3A, %get3A_3 : vector<512x512xf32>
    %exp23A = math.exp2 %add3A_67 : vector<512x512xf32>
    %broadcast_in_dim3A_68 = arith.constant 1.000000e+00 : f32
    %broadcast_in_dim3A_69 = vector.broadcast %broadcast_in_dim3A_68 : f32 to vector<512x1xf32>
    %concatenate3A_70 = tpu.concatenate %dot_general3A_43, %broadcast_in_dim3A_69 in 1 : vector<512x64xf32>, vector<512x1xf32> -> vector<512x65xf32>
    %dot_general3A_71 = arith.constant dense<0.000000e+00> : vector<512x65xf32>
    %dot_general3A_72 = tpu.matmul %exp23A, %concatenate3A_70, %dot_general3A_71 {dimension_numbers = #tpu.dot_dimension_numbers<[1], [0], [0], [1], [0, 0, 1, 1], [], []>, transpose_lhs_hint = false} : vector<512x512xf32>, vector<512x65xf32>, vector<512x65xf32> -> vector<512x65xf32>
    %slice3A = vector.extract_strided_slice %dot_general3A_72 {offsets = [0, 0], sizes = [512, 64], strides = [1, 1]} : vector<512x65xf32> to vector<512x64xf32>
    %slice3A_73 = vector.extract_strided_slice %dot_general3A_72 {offsets = [0, 64], sizes = [512, 1], strides = [1, 1]} : vector<512x65xf32> to vector<512x1xf32>
    %add3A_74 = arith.constant 1.000000e-16 : f32
    %add3A_75 = vector.broadcast %add3A_74 : f32 to vector<512x1xf32>
    %add3A_76 = arith.addf %slice3A_73, %add3A_75 : vector<512x1xf32>
    %div3A = vector.broadcast %add3A_76 : vector<512x1xf32> to vector<512x64xf32>
    %div3A_77 = arith.divf %slice3A, %div3A : vector<512x64xf32>
    %get3A_78 = arith.constant 0 : index
    %get3A_79 = arith.constant 0 : index
    %get3A_80 = vector.load %arg12[%get3A_78, %get3A_79] : memref<1x64xf32, #tpu.memory_space<vmem>>, vector<1x64xf32>
    %add3A_81 = vector.broadcast %get3A_80 : vector<1x64xf32> to vector<512x64xf32>
    %add3A_82 = arith.addf %div3A_77, %add3A_81 : vector<512x64xf32>
    %gt3A_83 = arith.constant 0.000000e+00 : f32
    %gt3A_84 = vector.broadcast %gt3A_83 : f32 to vector<512x64xf32>
    %gt3A_85 = arith.cmpf ogt, %add3A_82, %gt3A_84 : vector<512x64xf32>
    %mul3A_86 = arith.constant 2.000000e-01 : f32
    %mul3A_87 = vector.broadcast %mul3A_86 : f32 to vector<512x64xf32>
    %mul3A_88 = arith.mulf %mul3A_87, %add3A_82 : vector<512x64xf32>
    %select_n3A_89 = arith.select %gt3A_85, %add3A_82, %mul3A_88 : vector<512x64xi1>, vector<512x64xf32>
    %get3A_90 = arith.constant 0 : index
    %get3A_91 = arith.constant 0 : index
    %get3A_92 = vector.load %arg17[%get3A_90, %get3A_91] : memref<64x128xf32, #tpu.memory_space<vmem>>, vector<64x128xf32>
    %dot_general3A_93 = arith.constant dense<0.000000e+00> : vector<512x64xf32>
    %dot_general3A_94 = tpu.matmul %concatenate3A_38, %get3A_92, %dot_general3A_93 {dimension_numbers = #tpu.dot_dimension_numbers<[1], [1], [0], [0], [0, 0, 1, 0], [], []>, transpose_lhs_hint = false} : vector<512x128xf32>, vector<64x128xf32>, vector<512x64xf32> -> vector<512x64xf32>
    %get3A_95 = arith.constant 0 : index
    %get3A_96 = arith.constant 0 : index
    %get3A_97 = vector.load %arg18[%get3A_95, %get3A_96] : memref<1x64xf32, #tpu.memory_space<vmem>>, vector<1x64xf32>
    %dot_general3A_98 = arith.constant dense<0.000000e+00> : vector<1x512xf32>
    %dot_general3A_99 = tpu.matmul %get3A_97, %dot_general3A_94, %dot_general3A_98 {dimension_numbers = #tpu.dot_dimension_numbers<[1], [1], [0], [0], [0, 0, 1, 0], [], []>, transpose_lhs_hint = false} : vector<1x64xf32>, vector<512x64xf32>, vector<1x512xf32> -> vector<1x512xf32>
    %mul3A_100 = arith.constant 1.44269502 : f32
    %mul3A_101 = vector.broadcast %mul3A_100 : f32 to vector<1x512xf32>
    %mul3A_102 = arith.mulf %dot_general3A_99, %mul3A_101 : vector<1x512xf32>
    %get3A_103 = arith.constant 0 : index
    %get3A_104 = arith.constant 0 : index
    %get3A_105 = vector.load %arg19[%get3A_103, %get3A_104] : memref<1x64xf32, #tpu.memory_space<vmem>>, vector<1x64xf32>
    %dot_general3A_106 = arith.constant dense<0.000000e+00> : vector<1x512xf32>
    %dot_general3A_107 = tpu.matmul %get3A_105, %dot_general3A_94, %dot_general3A_106 {dimension_numbers = #tpu.dot_dimension_numbers<[1], [1], [0], [0], [0, 0, 1, 0], [], []>, transpose_lhs_hint = false} : vector<1x64xf32>, vector<512x64xf32>, vector<1x512xf32> -> vector<1x512xf32>
    %mul3A_108 = arith.constant 1.44269502 : f32
    %mul3A_109 = vector.broadcast %mul3A_108 : f32 to vector<1x512xf32>
    %mul3A_110 = arith.mulf %dot_general3A_107, %mul3A_109 : vector<1x512xf32>
    %reshape3A_111 = vector.shape_cast %mul3A_110 : vector<1x512xf32> to vector<512x1xf32>
    %add3A_112 = vector.broadcast %mul3A_102 : vector<1x512xf32> to vector<512x512xf32>
    %add3A_113 = vector.broadcast %reshape3A_111 : vector<512x1xf32> to vector<512x512xf32>
    %add3A_114 = arith.addf %add3A_112, %add3A_113 : vector<512x512xf32>
    %gt3A_115 = arith.constant 0.000000e+00 : f32
    %gt3A_116 = vector.broadcast %gt3A_115 : f32 to vector<512x512xf32>
    %gt3A_117 = arith.cmpf ogt, %add3A_114, %gt3A_116 : vector<512x512xf32>
    %mul3A_118 = arith.constant 2.000000e-01 : f32
    %mul3A_119 = vector.broadcast %mul3A_118 : f32 to vector<512x512xf32>
    %mul3A_120 = arith.mulf %mul3A_119, %add3A_114 : vector<512x512xf32>
    %select_n3A_121 = arith.select %gt3A_117, %add3A_114, %mul3A_120 : vector<512x512xi1>, vector<512x512xf32>
    %add3A_122 = arith.addf %select_n3A_121, %get3A_3 : vector<512x512xf32>
    %exp23A_123 = math.exp2 %add3A_122 : vector<512x512xf32>
    %broadcast_in_dim3A_124 = arith.constant 1.000000e+00 : f32
    %broadcast_in_dim3A_125 = vector.broadcast %broadcast_in_dim3A_124 : f32 to vector<512x1xf32>
    %concatenate3A_126 = tpu.concatenate %dot_general3A_94, %broadcast_in_dim3A_125 in 1 : vector<512x64xf32>, vector<512x1xf32> -> vector<512x65xf32>
    %dot_general3A_127 = arith.constant dense<0.000000e+00> : vector<512x65xf32>
    %dot_general3A_128 = tpu.matmul %exp23A_123, %concatenate3A_126, %dot_general3A_127 {dimension_numbers = #tpu.dot_dimension_numbers<[1], [0], [0], [1], [0, 0, 1, 1], [], []>, transpose_lhs_hint = false} : vector<512x512xf32>, vector<512x65xf32>, vector<512x65xf32> -> vector<512x65xf32>
    %slice3A_129 = vector.extract_strided_slice %dot_general3A_128 {offsets = [0, 0], sizes = [512, 64], strides = [1, 1]} : vector<512x65xf32> to vector<512x64xf32>
    %slice3A_130 = vector.extract_strided_slice %dot_general3A_128 {offsets = [0, 64], sizes = [512, 1], strides = [1, 1]} : vector<512x65xf32> to vector<512x1xf32>
    %add3A_131 = arith.constant 1.000000e-16 : f32
    %add3A_132 = vector.broadcast %add3A_131 : f32 to vector<512x1xf32>
    %add3A_133 = arith.addf %slice3A_130, %add3A_132 : vector<512x1xf32>
    %div3A_134 = vector.broadcast %add3A_133 : vector<512x1xf32> to vector<512x64xf32>
    %div3A_135 = arith.divf %slice3A_129, %div3A_134 : vector<512x64xf32>
    %get3A_136 = arith.constant 0 : index
    %get3A_137 = arith.constant 0 : index
    %get3A_138 = vector.load %arg20[%get3A_136, %get3A_137] : memref<1x64xf32, #tpu.memory_space<vmem>>, vector<1x64xf32>
    %add3A_139 = vector.broadcast %get3A_138 : vector<1x64xf32> to vector<512x64xf32>
    %add3A_140 = arith.addf %div3A_135, %add3A_139 : vector<512x64xf32>
    %gt3A_141 = arith.constant 0.000000e+00 : f32
    %gt3A_142 = vector.broadcast %gt3A_141 : f32 to vector<512x64xf32>
    %gt3A_143 = arith.cmpf ogt, %add3A_140, %gt3A_142 : vector<512x64xf32>
    %mul3A_144 = arith.constant 2.000000e-01 : f32
    %mul3A_145 = vector.broadcast %mul3A_144 : f32 to vector<512x64xf32>
    %mul3A_146 = arith.mulf %mul3A_145, %add3A_140 : vector<512x64xf32>
    %select_n3A_147 = arith.select %gt3A_143, %add3A_140, %mul3A_146 : vector<512x64xi1>, vector<512x64xf32>
    %get3A_148 = arith.constant 0 : index
    %get3A_149 = arith.constant 0 : index
    %get3A_150 = vector.load %arg13[%get3A_148, %get3A_149] : memref<64x64xf32, #tpu.memory_space<vmem>>, vector<64x64xf32>
    %dot_general3A_151 = arith.constant dense<0.000000e+00> : vector<512x64xf32>
    %dot_general3A_152 = tpu.matmul %select_n3A_89, %get3A_150, %dot_general3A_151 {dimension_numbers = #tpu.dot_dimension_numbers<[1], [1], [0], [0], [0, 0, 1, 0], [], []>, transpose_lhs_hint = false} : vector<512x64xf32>, vector<64x64xf32>, vector<512x64xf32> -> vector<512x64xf32>
    %get3A_153 = arith.constant 0 : index
    %get3A_154 = arith.constant 0 : index
    %get3A_155 = vector.load %arg14[%get3A_153, %get3A_154] : memref<1x64xf32, #tpu.memory_space<vmem>>, vector<1x64xf32>
    %dot_general3A_156 = arith.constant dense<0.000000e+00> : vector<1x512xf32>
    %dot_general3A_157 = tpu.matmul %get3A_155, %dot_general3A_152, %dot_general3A_156 {dimension_numbers = #tpu.dot_dimension_numbers<[1], [1], [0], [0], [0, 0, 1, 0], [], []>, transpose_lhs_hint = false} : vector<1x64xf32>, vector<512x64xf32>, vector<1x512xf32> -> vector<1x512xf32>
    %mul3A_158 = arith.constant 1.44269502 : f32
    %mul3A_159 = vector.broadcast %mul3A_158 : f32 to vector<1x512xf32>
    %mul3A_160 = arith.mulf %dot_general3A_157, %mul3A_159 : vector<1x512xf32>
    %get3A_161 = arith.constant 0 : index
    %get3A_162 = arith.constant 0 : index
    %get3A_163 = vector.load %arg15[%get3A_161, %get3A_162] : memref<1x64xf32, #tpu.memory_space<vmem>>, vector<1x64xf32>
    %dot_general3A_164 = arith.constant dense<0.000000e+00> : vector<1x512xf32>
    %dot_general3A_165 = tpu.matmul %get3A_163, %dot_general3A_152, %dot_general3A_164 {dimension_numbers = #tpu.dot_dimension_numbers<[1], [1], [0], [0], [0, 0, 1, 0], [], []>, transpose_lhs_hint = false} : vector<1x64xf32>, vector<512x64xf32>, vector<1x512xf32> -> vector<1x512xf32>
    %mul3A_166 = arith.constant 1.44269502 : f32
    %mul3A_167 = vector.broadcast %mul3A_166 : f32 to vector<1x512xf32>
    %mul3A_168 = arith.mulf %dot_general3A_165, %mul3A_167 : vector<1x512xf32>
    %reshape3A_169 = vector.shape_cast %mul3A_168 : vector<1x512xf32> to vector<512x1xf32>
    %add3A_170 = vector.broadcast %mul3A_160 : vector<1x512xf32> to vector<512x512xf32>
    %add3A_171 = vector.broadcast %reshape3A_169 : vector<512x1xf32> to vector<512x512xf32>
    %add3A_172 = arith.addf %add3A_170, %add3A_171 : vector<512x512xf32>
    %gt3A_173 = arith.constant 0.000000e+00 : f32
    %gt3A_174 = vector.broadcast %gt3A_173 : f32 to vector<512x512xf32>
    %gt3A_175 = arith.cmpf ogt, %add3A_172, %gt3A_174 : vector<512x512xf32>
    %mul3A_176 = arith.constant 2.000000e-01 : f32
    %mul3A_177 = vector.broadcast %mul3A_176 : f32 to vector<512x512xf32>
    %mul3A_178 = arith.mulf %mul3A_177, %add3A_172 : vector<512x512xf32>
    %select_n3A_179 = arith.select %gt3A_175, %add3A_172, %mul3A_178 : vector<512x512xi1>, vector<512x512xf32>
    %add3A_180 = arith.addf %select_n3A_179, %get3A_3 : vector<512x512xf32>
    %exp23A_181 = math.exp2 %add3A_180 : vector<512x512xf32>
    %broadcast_in_dim3A_182 = arith.constant 1.000000e+00 : f32
    %broadcast_in_dim3A_183 = vector.broadcast %broadcast_in_dim3A_182 : f32 to vector<512x1xf32>
    %concatenate3A_184 = tpu.concatenate %dot_general3A_152, %broadcast_in_dim3A_183 in 1 : vector<512x64xf32>, vector<512x1xf32> -> vector<512x65xf32>
    %dot_general3A_185 = arith.constant dense<0.000000e+00> : vector<512x65xf32>
    %dot_general3A_186 = tpu.matmul %exp23A_181, %concatenate3A_184, %dot_general3A_185 {dimension_numbers = #tpu.dot_dimension_numbers<[1], [0], [0], [1], [0, 0, 1, 1], [], []>, transpose_lhs_hint = false} : vector<512x512xf32>, vector<512x65xf32>, vector<512x65xf32> -> vector<512x65xf32>
    %slice3A_187 = vector.extract_strided_slice %dot_general3A_186 {offsets = [0, 0], sizes = [512, 64], strides = [1, 1]} : vector<512x65xf32> to vector<512x64xf32>
    %slice3A_188 = vector.extract_strided_slice %dot_general3A_186 {offsets = [0, 64], sizes = [512, 1], strides = [1, 1]} : vector<512x65xf32> to vector<512x1xf32>
    %add3A_189 = arith.constant 1.000000e-16 : f32
    %add3A_190 = vector.broadcast %add3A_189 : f32 to vector<512x1xf32>
    %add3A_191 = arith.addf %slice3A_188, %add3A_190 : vector<512x1xf32>
    %div3A_192 = vector.broadcast %add3A_191 : vector<512x1xf32> to vector<512x64xf32>
    %div3A_193 = arith.divf %slice3A_187, %div3A_192 : vector<512x64xf32>
    %get3A_194 = arith.constant 0 : index
    %get3A_195 = arith.constant 0 : index
    %get3A_196 = vector.load %arg16[%get3A_194, %get3A_195] : memref<1x64xf32, #tpu.memory_space<vmem>>, vector<1x64xf32>
    %add3A_197 = vector.broadcast %get3A_196 : vector<1x64xf32> to vector<512x64xf32>
    %add3A_198 = arith.addf %div3A_193, %add3A_197 : vector<512x64xf32>
    %gt3A_199 = arith.constant 0.000000e+00 : f32
    %gt3A_200 = vector.broadcast %gt3A_199 : f32 to vector<512x64xf32>
    %gt3A_201 = arith.cmpf ogt, %add3A_198, %gt3A_200 : vector<512x64xf32>
    %mul3A_202 = arith.constant 2.000000e-01 : f32
    %mul3A_203 = vector.broadcast %mul3A_202 : f32 to vector<512x64xf32>
    %mul3A_204 = arith.mulf %mul3A_203, %add3A_198 : vector<512x64xf32>
    %select_n3A_205 = arith.select %gt3A_201, %add3A_198, %mul3A_204 : vector<512x64xi1>, vector<512x64xf32>
    %get3A_206 = arith.constant 0 : index
    %get3A_207 = arith.constant 0 : index
    %get3A_208 = vector.load %arg21[%get3A_206, %get3A_207] : memref<64x64xf32, #tpu.memory_space<vmem>>, vector<64x64xf32>
    %dot_general3A_209 = arith.constant dense<0.000000e+00> : vector<512x64xf32>
    %dot_general3A_210 = tpu.matmul %select_n3A_147, %get3A_208, %dot_general3A_209 {dimension_numbers = #tpu.dot_dimension_numbers<[1], [1], [0], [0], [0, 0, 1, 0], [], []>, transpose_lhs_hint = false} : vector<512x64xf32>, vector<64x64xf32>, vector<512x64xf32> -> vector<512x64xf32>
    %get3A_211 = arith.constant 0 : index
    %get3A_212 = arith.constant 0 : index
    %get3A_213 = vector.load %arg22[%get3A_211, %get3A_212] : memref<1x64xf32, #tpu.memory_space<vmem>>, vector<1x64xf32>
    %dot_general3A_214 = arith.constant dense<0.000000e+00> : vector<1x512xf32>
    %dot_general3A_215 = tpu.matmul %get3A_213, %dot_general3A_210, %dot_general3A_214 {dimension_numbers = #tpu.dot_dimension_numbers<[1], [1], [0], [0], [0, 0, 1, 0], [], []>, transpose_lhs_hint = false} : vector<1x64xf32>, vector<512x64xf32>, vector<1x512xf32> -> vector<1x512xf32>
    %mul3A_216 = arith.constant 1.44269502 : f32
    %mul3A_217 = vector.broadcast %mul3A_216 : f32 to vector<1x512xf32>
    %mul3A_218 = arith.mulf %dot_general3A_215, %mul3A_217 : vector<1x512xf32>
    %get3A_219 = arith.constant 0 : index
    %get3A_220 = arith.constant 0 : index
    %get3A_221 = vector.load %arg23[%get3A_219, %get3A_220] : memref<1x64xf32, #tpu.memory_space<vmem>>, vector<1x64xf32>
    %dot_general3A_222 = arith.constant dense<0.000000e+00> : vector<1x512xf32>
    %dot_general3A_223 = tpu.matmul %get3A_221, %dot_general3A_210, %dot_general3A_222 {dimension_numbers = #tpu.dot_dimension_numbers<[1], [1], [0], [0], [0, 0, 1, 0], [], []>, transpose_lhs_hint = false} : vector<1x64xf32>, vector<512x64xf32>, vector<1x512xf32> -> vector<1x512xf32>
    %mul3A_224 = arith.constant 1.44269502 : f32
    %mul3A_225 = vector.broadcast %mul3A_224 : f32 to vector<1x512xf32>
    %mul3A_226 = arith.mulf %dot_general3A_223, %mul3A_225 : vector<1x512xf32>
    %reshape3A_227 = vector.shape_cast %mul3A_226 : vector<1x512xf32> to vector<512x1xf32>
    %add3A_228 = vector.broadcast %mul3A_218 : vector<1x512xf32> to vector<512x512xf32>
    %add3A_229 = vector.broadcast %reshape3A_227 : vector<512x1xf32> to vector<512x512xf32>
    %add3A_230 = arith.addf %add3A_228, %add3A_229 : vector<512x512xf32>
    %gt3A_231 = arith.constant 0.000000e+00 : f32
    %gt3A_232 = vector.broadcast %gt3A_231 : f32 to vector<512x512xf32>
    %gt3A_233 = arith.cmpf ogt, %add3A_230, %gt3A_232 : vector<512x512xf32>
    %mul3A_234 = arith.constant 2.000000e-01 : f32
    %mul3A_235 = vector.broadcast %mul3A_234 : f32 to vector<512x512xf32>
    %mul3A_236 = arith.mulf %mul3A_235, %add3A_230 : vector<512x512xf32>
    %select_n3A_237 = arith.select %gt3A_233, %add3A_230, %mul3A_236 : vector<512x512xi1>, vector<512x512xf32>
    %add3A_238 = arith.addf %select_n3A_237, %get3A_3 : vector<512x512xf32>
    %exp23A_239 = math.exp2 %add3A_238 : vector<512x512xf32>
    %broadcast_in_dim3A_240 = arith.constant 1.000000e+00 : f32
    %broadcast_in_dim3A_241 = vector.broadcast %broadcast_in_dim3A_240 : f32 to vector<512x1xf32>
    %concatenate3A_242 = tpu.concatenate %dot_general3A_210, %broadcast_in_dim3A_241 in 1 : vector<512x64xf32>, vector<512x1xf32> -> vector<512x65xf32>
    %dot_general3A_243 = arith.constant dense<0.000000e+00> : vector<512x65xf32>
    %dot_general3A_244 = tpu.matmul %exp23A_239, %concatenate3A_242, %dot_general3A_243 {dimension_numbers = #tpu.dot_dimension_numbers<[1], [0], [0], [1], [0, 0, 1, 1], [], []>, transpose_lhs_hint = false} : vector<512x512xf32>, vector<512x65xf32>, vector<512x65xf32> -> vector<512x65xf32>
    %slice3A_245 = vector.extract_strided_slice %dot_general3A_244 {offsets = [0, 0], sizes = [512, 64], strides = [1, 1]} : vector<512x65xf32> to vector<512x64xf32>
    %slice3A_246 = vector.extract_strided_slice %dot_general3A_244 {offsets = [0, 64], sizes = [512, 1], strides = [1, 1]} : vector<512x65xf32> to vector<512x1xf32>
    %add3A_247 = arith.constant 1.000000e-16 : f32
    %add3A_248 = vector.broadcast %add3A_247 : f32 to vector<512x1xf32>
    %add3A_249 = arith.addf %slice3A_246, %add3A_248 : vector<512x1xf32>
    %div3A_250 = vector.broadcast %add3A_249 : vector<512x1xf32> to vector<512x64xf32>
    %div3A_251 = arith.divf %slice3A_245, %div3A_250 : vector<512x64xf32>
    %get3A_252 = arith.constant 0 : index
    %get3A_253 = arith.constant 0 : index
    %get3A_254 = vector.load %arg24[%get3A_252, %get3A_253] : memref<1x64xf32, #tpu.memory_space<vmem>>, vector<1x64xf32>
    %add3A_255 = vector.broadcast %get3A_254 : vector<1x64xf32> to vector<512x64xf32>
    %add3A_256 = arith.addf %div3A_251, %add3A_255 : vector<512x64xf32>
    %gt3A_257 = arith.constant 0.000000e+00 : f32
    %gt3A_258 = vector.broadcast %gt3A_257 : f32 to vector<512x64xf32>
    %gt3A_259 = arith.cmpf ogt, %add3A_256, %gt3A_258 : vector<512x64xf32>
    %mul3A_260 = arith.constant 2.000000e-01 : f32
    %mul3A_261 = vector.broadcast %mul3A_260 : f32 to vector<512x64xf32>
    %mul3A_262 = arith.mulf %mul3A_261, %add3A_256 : vector<512x64xf32>
    %select_n3A_263 = arith.select %gt3A_259, %add3A_256, %mul3A_262 : vector<512x64xi1>, vector<512x64xf32>
    %slice3A_264 = vector.extract_strided_slice %select_n3A_205 {offsets = [0, 0], sizes = [501, 64], strides = [1, 1]} : vector<512x64xf32> to vector<501x64xf32>
    %swap3A = arith.constant 0 : index
    %swap3A_265 = arith.constant 0 : index
    %swap3A_266 = arith.constant 0 : index
    %swap3A_267 = arith.constant 0 : index
    %swap3A_268 = vector.load %arg25[%swap3A, %swap3A_265, %swap3A_266, %swap3A_267] : memref<4x2x501x64xf32, #tpu.memory_space<vmem>>, vector<1x1x501x64xf32>
    %swap3A_269 = vector.shape_cast %swap3A_268 : vector<1x1x501x64xf32> to vector<501x64xf32>
    %swap3A_270 = vector.shape_cast %slice3A_264 : vector<501x64xf32> to vector<1x1x501x64xf32>
    tpu.vector_store %arg25[%swap3A, %swap3A_265, %swap3A_266, %swap3A_267], %swap3A_270 {strides = array<i32>} : memref<4x2x501x64xf32, #tpu.memory_space<vmem>>, vector<1x1x501x64xf32>,
    %slice3A_271 = vector.extract_strided_slice %select_n3A_263 {offsets = [0, 0], sizes = [501, 64], strides = [1, 1]} : vector<512x64xf32> to vector<501x64xf32>
    %swap3A_272 = arith.constant 0 : index
    %swap3A_273 = arith.constant 1 : index
    %swap3A_274 = arith.constant 0 : index
    %swap3A_275 = arith.constant 0 : index
    %swap3A_276 = vector.load %arg25[%swap3A_272, %swap3A_273, %swap3A_274, %swap3A_275] : memref<4x2x501x64xf32, #tpu.memory_space<vmem>>, vector<1x1x501x64xf32>
    %swap3A_277 = vector.shape_cast %swap3A_276 : vector<1x1x501x64xf32> to vector<501x64xf32>
    %swap3A_278 = vector.shape_cast %slice3A_271 : vector<501x64xf32> to vector<1x1x501x64xf32>
    tpu.vector_store %arg25[%swap3A_272, %swap3A_273, %swap3A_274, %swap3A_275], %swap3A_278 {strides = array<i32>} : memref<4x2x501x64xf32, #tpu.memory_space<vmem>>, vector<1x1x501x64xf32>,
    %get3A_279 = arith.constant 1 : index
    %get3A_280 = arith.constant 0 : index
    %get3A_281 = arith.constant 0 : index
    %get3A_282 = vector.load %arg3[%get3A_279, %get3A_280, %get3A_281] : memref<4x1x64xf32, #tpu.memory_space<vmem>>, vector<1x1x64xf32>
    %get3A_283 = vector.shape_cast %get3A_282 : vector<1x1x64xf32> to vector<1x64xf32>
    %get3A_284 = arith.constant 0 : index
    %get3A_285 = arith.constant 0 : index
    %get3A_286 = vector.load %arg4[%get3A_284, %get3A_285] : memref<128x64xf32, #tpu.memory_space<vmem>>, vector<128x64xf32>
    %dot_general3A_287 = arith.constant dense<0.000000e+00> : vector<1x128xf32>
    %dot_general3A_288 = tpu.matmul %get3A_283, %get3A_286, %dot_general3A_287 {dimension_numbers = #tpu.dot_dimension_numbers<[1], [1], [0], [0], [0, 0, 1, 0], [], []>, transpose_lhs_hint = false} : vector<1x64xf32>, vector<128x64xf32>, vector<1x128xf32> -> vector<1x128xf32>
    %get3A_289 = arith.constant 0 : index
    %get3A_290 = arith.constant 0 : index
    %get3A_291 = vector.load %arg5[%get3A_289, %get3A_290] : memref<1x128xf32, #tpu.memory_space<vmem>>, vector<1x128xf32>
    %add3A_292 = arith.addf %dot_general3A_288, %get3A_291 : vector<1x128xf32>
    %get3A_293 = arith.constant 0 : index
    %get3A_294 = arith.constant 0 : index
    %get3A_295 = vector.load %arg6[%get3A_293, %get3A_294] : memref<128x64xf32, #tpu.memory_space<vmem>>, vector<128x64xf32>
    %dot_general3A_296 = arith.constant dense<0.000000e+00> : vector<1x128xf32>
    %dot_general3A_297 = tpu.matmul %get3A_283, %get3A_295, %dot_general3A_296 {dimension_numbers = #tpu.dot_dimension_numbers<[1], [1], [0], [0], [0, 0, 1, 0], [], []>, transpose_lhs_hint = false} : vector<1x64xf32>, vector<128x64xf32>, vector<1x128xf32> -> vector<1x128xf32>
    %get3A_298 = arith.constant 0 : index
    %get3A_299 = arith.constant 0 : index
    %get3A_300 = vector.load %arg7[%get3A_298, %get3A_299] : memref<1x128xf32, #tpu.memory_space<vmem>>, vector<1x128xf32>
    %add3A_301 = arith.addf %dot_general3A_297, %get3A_300 : vector<1x128xf32>
    %get3A_302 = arith.constant 1 : index
    %get3A_303 = arith.constant 0 : index
    %get3A_304 = arith.constant 0 : index
    %get3A_305 = arith.constant 0 : index
    %get3A_306 = vector.load %arg1[%get3A_302, %get3A_303, %get3A_304, %get3A_305] : memref<4x1x500x128xf32, #tpu.memory_space<vmem>>, vector<1x1x500x128xf32>
    %get3A_307 = vector.shape_cast %get3A_306 : vector<1x1x500x128xf32> to vector<500x128xf32>
    %concatenate3A_308 = tpu.concatenate %get3A_307, %add3A_292, %broadcast_in_dim3A_4 in 0 : vector<500x128xf32>, vector<1x128xf32>, vector<11x128xf32> -> vector<512x128xf32>
    %get3A_309 = arith.constant 1 : index
    %get3A_310 = arith.constant 0 : index
    %get3A_311 = arith.constant 0 : index
    %get3A_312 = arith.constant 0 : index
    %get3A_313 = vector.load %arg2[%get3A_309, %get3A_310, %get3A_311, %get3A_312] : memref<4x1x500x128xf32, #tpu.memory_space<vmem>>, vector<1x1x500x128xf32>
    %get3A_314 = vector.shape_cast %get3A_313 : vector<1x1x500x128xf32> to vector<500x128xf32>
    %concatenate3A_315 = tpu.concatenate %get3A_314, %add3A_301, %broadcast_in_dim3A_4 in 0 : vector<500x128xf32>, vector<1x128xf32>, vector<11x128xf32> -> vector<512x128xf32>
    %get3A_316 = arith.constant 0 : index
    %get3A_317 = arith.constant 0 : index
    %get3A_318 = vector.load %arg9[%get3A_316, %get3A_317] : memref<64x128xf32, #tpu.memory_space<vmem>>, vector<64x128xf32>
    %dot_general3A_319 = arith.constant dense<0.000000e+00> : vector<512x64xf32>
    %dot_general3A_320 = tpu.matmul %concatenate3A_308, %get3A_318, %dot_general3A_319 {dimension_numbers = #tpu.dot_dimension_numbers<[1], [1], [0], [0], [0, 0, 1, 0], [], []>, transpose_lhs_hint = false} : vector<512x128xf32>, vector<64x128xf32>, vector<512x64xf32> -> vector<512x64xf32>
    %get3A_321 = arith.constant 0 : index
    %get3A_322 = arith.constant 0 : index
    %get3A_323 = vector.load %arg10[%get3A_321, %get3A_322] : memref<1x64xf32, #tpu.memory_space<vmem>>, vector<1x64xf32>
    %dot_general3A_324 = arith.constant dense<0.000000e+00> : vector<1x512xf32>
    %dot_general3A_325 = tpu.matmul %get3A_323, %dot_general3A_320, %dot_general3A_324 {dimension_numbers = #tpu.dot_dimension_numbers<[1], [1], [0], [0], [0, 0, 1, 0], [], []>, transpose_lhs_hint = false} : vector<1x64xf32>, vector<512x64xf32>, vector<1x512xf32> -> vector<1x512xf32>
    %mul3A_326 = arith.constant 1.44269502 : f32
    %mul3A_327 = vector.broadcast %mul3A_326 : f32 to vector<1x512xf32>
    %mul3A_328 = arith.mulf %dot_general3A_325, %mul3A_327 : vector<1x512xf32>
    %get3A_329 = arith.constant 0 : index
    %get3A_330 = arith.constant 0 : index
    %get3A_331 = vector.load %arg11[%get3A_329, %get3A_330] : memref<1x64xf32, #tpu.memory_space<vmem>>, vector<1x64xf32>
    %dot_general3A_332 = arith.constant dense<0.000000e+00> : vector<1x512xf32>
    %dot_general3A_333 = tpu.matmul %get3A_331, %dot_general3A_320, %dot_general3A_332 {dimension_numbers = #tpu.dot_dimension_numbers<[1], [1], [0], [0], [0, 0, 1, 0], [], []>, transpose_lhs_hint = false} : vector<1x64xf32>, vector<512x64xf32>, vector<1x512xf32> -> vector<1x512xf32>
    %mul3A_334 = arith.constant 1.44269502 : f32
    %mul3A_335 = vector.broadcast %mul3A_334 : f32 to vector<1x512xf32>
    %mul3A_336 = arith.mulf %dot_general3A_333, %mul3A_335 : vector<1x512xf32>
    %reshape3A_337 = vector.shape_cast %mul3A_336 : vector<1x512xf32> to vector<512x1xf32>
    %add3A_338 = vector.broadcast %mul3A_328 : vector<1x512xf32> to vector<512x512xf32>
    %add3A_339 = vector.broadcast %reshape3A_337 : vector<512x1xf32> to vector<512x512xf32>
    %add3A_340 = arith.addf %add3A_338, %add3A_339 : vector<512x512xf32>
    %gt3A_341 = arith.constant 0.000000e+00 : f32
    %gt3A_342 = vector.broadcast %gt3A_341 : f32 to vector<512x512xf32>
    %gt3A_343 = arith.cmpf ogt, %add3A_340, %gt3A_342 : vector<512x512xf32>
    %mul3A_344 = arith.constant 2.000000e-01 : f32
    %mul3A_345 = vector.broadcast %mul3A_344 : f32 to vector<512x512xf32>
    %mul3A_346 = arith.mulf %mul3A_345, %add3A_340 : vector<512x512xf32>
    %select_n3A_347 = arith.select %gt3A_343, %add3A_340, %mul3A_346 : vector<512x512xi1>, vector<512x512xf32>
    %add3A_348 = arith.addf %select_n3A_347, %get3A_3 : vector<512x512xf32>
    %exp23A_349 = math.exp2 %add3A_348 : vector<512x512xf32>
    %broadcast_in_dim3A_350 = arith.constant 1.000000e+00 : f32
    %broadcast_in_dim3A_351 = vector.broadcast %broadcast_in_dim3A_350 : f32 to vector<512x1xf32>
    %concatenate3A_352 = tpu.concatenate %dot_general3A_320, %broadcast_in_dim3A_351 in 1 : vector<512x64xf32>, vector<512x1xf32> -> vector<512x65xf32>
    %dot_general3A_353 = arith.constant dense<0.000000e+00> : vector<512x65xf32>
    %dot_general3A_354 = tpu.matmul %exp23A_349, %concatenate3A_352, %dot_general3A_353 {dimension_numbers = #tpu.dot_dimension_numbers<[1], [0], [0], [1], [0, 0, 1, 1], [], []>, transpose_lhs_hint = false} : vector<512x512xf32>, vector<512x65xf32>, vector<512x65xf32> -> vector<512x65xf32>
    %slice3A_355 = vector.extract_strided_slice %dot_general3A_354 {offsets = [0, 0], sizes = [512, 64], strides = [1, 1]} : vector<512x65xf32> to vector<512x64xf32>
    %slice3A_356 = vector.extract_strided_slice %dot_general3A_354 {offsets = [0, 64], sizes = [512, 1], strides = [1, 1]} : vector<512x65xf32> to vector<512x1xf32>
    %add3A_357 = arith.constant 1.000000e-16 : f32
    %add3A_358 = vector.broadcast %add3A_357 : f32 to vector<512x1xf32>
    %add3A_359 = arith.addf %slice3A_356, %add3A_358 : vector<512x1xf32>
    %div3A_360 = vector.broadcast %add3A_359 : vector<512x1xf32> to vector<512x64xf32>
    %div3A_361 = arith.divf %slice3A_355, %div3A_360 : vector<512x64xf32>
    %get3A_362 = arith.constant 0 : index
    %get3A_363 = arith.constant 0 : index
    %get3A_364 = vector.load %arg12[%get3A_362, %get3A_363] : memref<1x64xf32, #tpu.memory_space<vmem>>, vector<1x64xf32>
    %add3A_365 = vector.broadcast %get3A_364 : vector<1x64xf32> to vector<512x64xf32>
    %add3A_366 = arith.addf %div3A_361, %add3A_365 : vector<512x64xf32>
    %gt3A_367 = arith.constant 0.000000e+00 : f32
    %gt3A_368 = vector.broadcast %gt3A_367 : f32 to vector<512x64xf32>
    %gt3A_369 = arith.cmpf ogt, %add3A_366, %gt3A_368 : vector<512x64xf32>
    %mul3A_370 = arith.constant 2.000000e-01 : f32
    %mul3A_371 = vector.broadcast %mul3A_370 : f32 to vector<512x64xf32>
    %mul3A_372 = arith.mulf %mul3A_371, %add3A_366 : vector<512x64xf32>
    %select_n3A_373 = arith.select %gt3A_369, %add3A_366, %mul3A_372 : vector<512x64xi1>, vector<512x64xf32>
    %get3A_374 = arith.constant 0 : index
    %get3A_375 = arith.constant 0 : index
    %get3A_376 = vector.load %arg17[%get3A_374, %get3A_375] : memref<64x128xf32, #tpu.memory_space<vmem>>, vector<64x128xf32>
    %dot_general3A_377 = arith.constant dense<0.000000e+00> : vector<512x64xf32>
    %dot_general3A_378 = tpu.matmul %concatenate3A_315, %get3A_376, %dot_general3A_377 {dimension_numbers = #tpu.dot_dimension_numbers<[1], [1], [0], [0], [0, 0, 1, 0], [], []>, transpose_lhs_hint = false} : vector<512x128xf32>, vector<64x128xf32>, vector<512x64xf32> -> vector<512x64xf32>
    %get3A_379 = arith.constant 0 : index
    %get3A_380 = arith.constant 0 : index
    %get3A_381 = vector.load %arg18[%get3A_379, %get3A_380] : memref<1x64xf32, #tpu.memory_space<vmem>>, vector<1x64xf32>
    %dot_general3A_382 = arith.constant dense<0.000000e+00> : vector<1x512xf32>
    %dot_general3A_383 = tpu.matmul %get3A_381, %dot_general3A_378, %dot_general3A_382 {dimension_numbers = #tpu.dot_dimension_numbers<[1], [1], [0], [0], [0, 0, 1, 0], [], []>, transpose_lhs_hint = false} : vector<1x64xf32>, vector<512x64xf32>, vector<1x512xf32> -> vector<1x512xf32>
    %mul3A_384 = arith.constant 1.44269502 : f32
    %mul3A_385 = vector.broadcast %mul3A_384 : f32 to vector<1x512xf32>
    %mul3A_386 = arith.mulf %dot_general3A_383, %mul3A_385 : vector<1x512xf32>
    %get3A_387 = arith.constant 0 : index
    %get3A_388 = arith.constant 0 : index
    %get3A_389 = vector.load %arg19[%get3A_387, %get3A_388] : memref<1x64xf32, #tpu.memory_space<vmem>>, vector<1x64xf32>
    %dot_general3A_390 = arith.constant dense<0.000000e+00> : vector<1x512xf32>
    %dot_general3A_391 = tpu.matmul %get3A_389, %dot_general3A_378, %dot_general3A_390 {dimension_numbers = #tpu.dot_dimension_numbers<[1], [1], [0], [0], [0, 0, 1, 0], [], []>, transpose_lhs_hint = false} : vector<1x64xf32>, vector<512x64xf32>, vector<1x512xf32> -> vector<1x512xf32>
    %mul3A_392 = arith.constant 1.44269502 : f32
    %mul3A_393 = vector.broadcast %mul3A_392 : f32 to vector<1x512xf32>
    %mul3A_394 = arith.mulf %dot_general3A_391, %mul3A_393 : vector<1x512xf32>
    %reshape3A_395 = vector.shape_cast %mul3A_394 : vector<1x512xf32> to vector<512x1xf32>
    %add3A_396 = vector.broadcast %mul3A_386 : vector<1x512xf32> to vector<512x512xf32>
    %add3A_397 = vector.broadcast %reshape3A_395 : vector<512x1xf32> to vector<512x512xf32>
    %add3A_398 = arith.addf %add3A_396, %add3A_397 : vector<512x512xf32>
    %gt3A_399 = arith.constant 0.000000e+00 : f32
    %gt3A_400 = vector.broadcast %gt3A_399 : f32 to vector<512x512xf32>
    %gt3A_401 = arith.cmpf ogt, %add3A_398, %gt3A_400 : vector<512x512xf32>
    %mul3A_402 = arith.constant 2.000000e-01 : f32
    %mul3A_403 = vector.broadcast %mul3A_402 : f32 to vector<512x512xf32>
    %mul3A_404 = arith.mulf %mul3A_403, %add3A_398 : vector<512x512xf32>
    %select_n3A_405 = arith.select %gt3A_401, %add3A_398, %mul3A_404 : vector<512x512xi1>, vector<512x512xf32>
    %add3A_406 = arith.addf %select_n3A_405, %get3A_3 : vector<512x512xf32>
    %exp23A_407 = math.exp2 %add3A_406 : vector<512x512xf32>
    %broadcast_in_dim3A_408 = arith.constant 1.000000e+00 : f32
    %broadcast_in_dim3A_409 = vector.broadcast %broadcast_in_dim3A_408 : f32 to vector<512x1xf32>
    %concatenate3A_410 = tpu.concatenate %dot_general3A_378, %broadcast_in_dim3A_409 in 1 : vector<512x64xf32>, vector<512x1xf32> -> vector<512x65xf32>
    %dot_general3A_411 = arith.constant dense<0.000000e+00> : vector<512x65xf32>
    %dot_general3A_412 = tpu.matmul %exp23A_407, %concatenate3A_410, %dot_general3A_411 {dimension_numbers = #tpu.dot_dimension_numbers<[1], [0], [0], [1], [0, 0, 1, 1], [], []>, transpose_lhs_hint = false} : vector<512x512xf32>, vector<512x65xf32>, vector<512x65xf32> -> vector<512x65xf32>
    %slice3A_413 = vector.extract_strided_slice %dot_general3A_412 {offsets = [0, 0], sizes = [512, 64], strides = [1, 1]} : vector<512x65xf32> to vector<512x64xf32>
    %slice3A_414 = vector.extract_strided_slice %dot_general3A_412 {offsets = [0, 64], sizes = [512, 1], strides = [1, 1]} : vector<512x65xf32> to vector<512x1xf32>
    %add3A_415 = arith.constant 1.000000e-16 : f32
    %add3A_416 = vector.broadcast %add3A_415 : f32 to vector<512x1xf32>
    %add3A_417 = arith.addf %slice3A_414, %add3A_416 : vector<512x1xf32>
    %div3A_418 = vector.broadcast %add3A_417 : vector<512x1xf32> to vector<512x64xf32>
    %div3A_419 = arith.divf %slice3A_413, %div3A_418 : vector<512x64xf32>
    %get3A_420 = arith.constant 0 : index
    %get3A_421 = arith.constant 0 : index
    %get3A_422 = vector.load %arg20[%get3A_420, %get3A_421] : memref<1x64xf32, #tpu.memory_space<vmem>>, vector<1x64xf32>
    %add3A_423 = vector.broadcast %get3A_422 : vector<1x64xf32> to vector<512x64xf32>
    %add3A_424 = arith.addf %div3A_419, %add3A_423 : vector<512x64xf32>
    %gt3A_425 = arith.constant 0.000000e+00 : f32
    %gt3A_426 = vector.broadcast %gt3A_425 : f32 to vector<512x64xf32>
    %gt3A_427 = arith.cmpf ogt, %add3A_424, %gt3A_426 : vector<512x64xf32>
    %mul3A_428 = arith.constant 2.000000e-01 : f32
    %mul3A_429 = vector.broadcast %mul3A_428 : f32 to vector<512x64xf32>
    %mul3A_430 = arith.mulf %mul3A_429, %add3A_424 : vector<512x64xf32>
    %select_n3A_431 = arith.select %gt3A_427, %add3A_424, %mul3A_430 : vector<512x64xi1>, vector<512x64xf32>
    %get3A_432 = arith.constant 0 : index
    %get3A_433 = arith.constant 0 : index
    %get3A_434 = vector.load %arg13[%get3A_432, %get3A_433] : memref<64x64xf32, #tpu.memory_space<vmem>>, vector<64x64xf32>
    %dot_general3A_435 = arith.constant dense<0.000000e+00> : vector<512x64xf32>
    %dot_general3A_436 = tpu.matmul %select_n3A_373, %get3A_434, %dot_general3A_435 {dimension_numbers = #tpu.dot_dimension_numbers<[1], [1], [0], [0], [0, 0, 1, 0], [], []>, transpose_lhs_hint = false} : vector<512x64xf32>, vector<64x64xf32>, vector<512x64xf32> -> vector<512x64xf32>
    %get3A_437 = arith.constant 0 : index
    %get3A_438 = arith.constant 0 : index
    %get3A_439 = vector.load %arg14[%get3A_437, %get3A_438] : memref<1x64xf32, #tpu.memory_space<vmem>>, vector<1x64xf32>
    %dot_general3A_440 = arith.constant dense<0.000000e+00> : vector<1x512xf32>
    %dot_general3A_441 = tpu.matmul %get3A_439, %dot_general3A_436, %dot_general3A_440 {dimension_numbers = #tpu.dot_dimension_numbers<[1], [1], [0], [0], [0, 0, 1, 0], [], []>, transpose_lhs_hint = false} : vector<1x64xf32>, vector<512x64xf32>, vector<1x512xf32> -> vector<1x512xf32>
    %mul3A_442 = arith.constant 1.44269502 : f32
    %mul3A_443 = vector.broadcast %mul3A_442 : f32 to vector<1x512xf32>
    %mul3A_444 = arith.mulf %dot_general3A_441, %mul3A_443 : vector<1x512xf32>
    %get3A_445 = arith.constant 0 : index
    %get3A_446 = arith.constant 0 : index
    %get3A_447 = vector.load %arg15[%get3A_445, %get3A_446] : memref<1x64xf32, #tpu.memory_space<vmem>>, vector<1x64xf32>
    %dot_general3A_448 = arith.constant dense<0.000000e+00> : vector<1x512xf32>
    %dot_general3A_449 = tpu.matmul %get3A_447, %dot_general3A_436, %dot_general3A_448 {dimension_numbers = #tpu.dot_dimension_numbers<[1], [1], [0], [0], [0, 0, 1, 0], [], []>, transpose_lhs_hint = false} : vector<1x64xf32>, vector<512x64xf32>, vector<1x512xf32> -> vector<1x512xf32>
    %mul3A_450 = arith.constant 1.44269502 : f32
    %mul3A_451 = vector.broadcast %mul3A_450 : f32 to vector<1x512xf32>
    %mul3A_452 = arith.mulf %dot_general3A_449, %mul3A_451 : vector<1x512xf32>
    %reshape3A_453 = vector.shape_cast %mul3A_452 : vector<1x512xf32> to vector<512x1xf32>
    %add3A_454 = vector.broadcast %mul3A_444 : vector<1x512xf32> to vector<512x512xf32>
    %add3A_455 = vector.broadcast %reshape3A_453 : vector<512x1xf32> to vector<512x512xf32>
    %add3A_456 = arith.addf %add3A_454, %add3A_455 : vector<512x512xf32>
    %gt3A_457 = arith.constant 0.000000e+00 : f32
    %gt3A_458 = vector.broadcast %gt3A_457 : f32 to vector<512x512xf32>
    %gt3A_459 = arith.cmpf ogt, %add3A_456, %gt3A_458 : vector<512x512xf32>
    %mul3A_460 = arith.constant 2.000000e-01 : f32
    %mul3A_461 = vector.broadcast %mul3A_460 : f32 to vector<512x512xf32>
    %mul3A_462 = arith.mulf %mul3A_461, %add3A_456 : vector<512x512xf32>
    %select_n3A_463 = arith.select %gt3A_459, %add3A_456, %mul3A_462 : vector<512x512xi1>, vector<512x512xf32>
    %add3A_464 = arith.addf %select_n3A_463, %get3A_3 : vector<512x512xf32>
    %exp23A_465 = math.exp2 %add3A_464 : vector<512x512xf32>
    %broadcast_in_dim3A_466 = arith.constant 1.000000e+00 : f32
    %broadcast_in_dim3A_467 = vector.broadcast %broadcast_in_dim3A_466 : f32 to vector<512x1xf32>
    %concatenate3A_468 = tpu.concatenate %dot_general3A_436, %broadcast_in_dim3A_467 in 1 : vector<512x64xf32>, vector<512x1xf32> -> vector<512x65xf32>
    %dot_general3A_469 = arith.constant dense<0.000000e+00> : vector<512x65xf32>
    %dot_general3A_470 = tpu.matmul %exp23A_465, %concatenate3A_468, %dot_general3A_469 {dimension_numbers = #tpu.dot_dimension_numbers<[1], [0], [0], [1], [0, 0, 1, 1], [], []>, transpose_lhs_hint = false} : vector<512x512xf32>, vector<512x65xf32>, vector<512x65xf32> -> vector<512x65xf32>
    %slice3A_471 = vector.extract_strided_slice %dot_general3A_470 {offsets = [0, 0], sizes = [512, 64], strides = [1, 1]} : vector<512x65xf32> to vector<512x64xf32>
    %slice3A_472 = vector.extract_strided_slice %dot_general3A_470 {offsets = [0, 64], sizes = [512, 1], strides = [1, 1]} : vector<512x65xf32> to vector<512x1xf32>
    %add3A_473 = arith.constant 1.000000e-16 : f32
    %add3A_474 = vector.broadcast %add3A_473 : f32 to vector<512x1xf32>
    %add3A_475 = arith.addf %slice3A_472, %add3A_474 : vector<512x1xf32>
    %div3A_476 = vector.broadcast %add3A_475 : vector<512x1xf32> to vector<512x64xf32>
    %div3A_477 = arith.divf %slice3A_471, %div3A_476 : vector<512x64xf32>
    %get3A_478 = arith.constant 0 : index
    %get3A_479 = arith.constant 0 : index
    %get3A_480 = vector.load %arg16[%get3A_478, %get3A_479] : memref<1x64xf32, #tpu.memory_space<vmem>>, vector<1x64xf32>
    %add3A_481 = vector.broadcast %get3A_480 : vector<1x64xf32> to vector<512x64xf32>
    %add3A_482 = arith.addf %div3A_477, %add3A_481 : vector<512x64xf32>
    %gt3A_483 = arith.constant 0.000000e+00 : f32
    %gt3A_484 = vector.broadcast %gt3A_483 : f32 to vector<512x64xf32>
    %gt3A_485 = arith.cmpf ogt, %add3A_482, %gt3A_484 : vector<512x64xf32>
    %mul3A_486 = arith.constant 2.000000e-01 : f32
    %mul3A_487 = vector.broadcast %mul3A_486 : f32 to vector<512x64xf32>
    %mul3A_488 = arith.mulf %mul3A_487, %add3A_482 : vector<512x64xf32>
    %select_n3A_489 = arith.select %gt3A_485, %add3A_482, %mul3A_488 : vector<512x64xi1>, vector<512x64xf32>
    %get3A_490 = arith.constant 0 : index
    %get3A_491 = arith.constant 0 : index
    %get3A_492 = vector.load %arg21[%get3A_490, %get3A_491] : memref<64x64xf32, #tpu.memory_space<vmem>>, vector<64x64xf32>
    %dot_general3A_493 = arith.constant dense<0.000000e+00> : vector<512x64xf32>
    %dot_general3A_494 = tpu.matmul %select_n3A_431, %get3A_492, %dot_general3A_493 {dimension_numbers = #tpu.dot_dimension_numbers<[1], [1], [0], [0], [0, 0, 1, 0], [], []>, transpose_lhs_hint = false} : vector<512x64xf32>, vector<64x64xf32>, vector<512x64xf32> -> vector<512x64xf32>
    %get3A_495 = arith.constant 0 : index
    %get3A_496 = arith.constant 0 : index
    %get3A_497 = vector.load %arg22[%get3A_495, %get3A_496] : memref<1x64xf32, #tpu.memory_space<vmem>>, vector<1x64xf32>
    %dot_general3A_498 = arith.constant dense<0.000000e+00> : vector<1x512xf32>
    %dot_general3A_499 = tpu.matmul %get3A_497, %dot_general3A_494, %dot_general3A_498 {dimension_numbers = #tpu.dot_dimension_numbers<[1], [1], [0], [0], [0, 0, 1, 0], [], []>, transpose_lhs_hint = false} : vector<1x64xf32>, vector<512x64xf32>, vector<1x512xf32> -> vector<1x512xf32>
    %mul3A_500 = arith.constant 1.44269502 : f32
    %mul3A_501 = vector.broadcast %mul3A_500 : f32 to vector<1x512xf32>
    %mul3A_502 = arith.mulf %dot_general3A_499, %mul3A_501 : vector<1x512xf32>
    %get3A_503 = arith.constant 0 : index
    %get3A_504 = arith.constant 0 : index
    %get3A_505 = vector.load %arg23[%get3A_503, %get3A_504] : memref<1x64xf32, #tpu.memory_space<vmem>>, vector<1x64xf32>
    %dot_general3A_506 = arith.constant dense<0.000000e+00> : vector<1x512xf32>
    %dot_general3A_507 = tpu.matmul %get3A_505, %dot_general3A_494, %dot_general3A_506 {dimension_numbers = #tpu.dot_dimension_numbers<[1], [1], [0], [0], [0, 0, 1, 0], [], []>, transpose_lhs_hint = false} : vector<1x64xf32>, vector<512x64xf32>, vector<1x512xf32> -> vector<1x512xf32>
    %mul3A_508 = arith.constant 1.44269502 : f32
    %mul3A_509 = vector.broadcast %mul3A_508 : f32 to vector<1x512xf32>
    %mul3A_510 = arith.mulf %dot_general3A_507, %mul3A_509 : vector<1x512xf32>
    %reshape3A_511 = vector.shape_cast %mul3A_510 : vector<1x512xf32> to vector<512x1xf32>
    %add3A_512 = vector.broadcast %mul3A_502 : vector<1x512xf32> to vector<512x512xf32>
    %add3A_513 = vector.broadcast %reshape3A_511 : vector<512x1xf32> to vector<512x512xf32>
    %add3A_514 = arith.addf %add3A_512, %add3A_513 : vector<512x512xf32>
    %gt3A_515 = arith.constant 0.000000e+00 : f32
    %gt3A_516 = vector.broadcast %gt3A_515 : f32 to vector<512x512xf32>
    %gt3A_517 = arith.cmpf ogt, %add3A_514, %gt3A_516 : vector<512x512xf32>
    %mul3A_518 = arith.constant 2.000000e-01 : f32
    %mul3A_519 = vector.broadcast %mul3A_518 : f32 to vector<512x512xf32>
    %mul3A_520 = arith.mulf %mul3A_519, %add3A_514 : vector<512x512xf32>
    %select_n3A_521 = arith.select %gt3A_517, %add3A_514, %mul3A_520 : vector<512x512xi1>, vector<512x512xf32>
    %add3A_522 = arith.addf %select_n3A_521, %get3A_3 : vector<512x512xf32>
    %exp23A_523 = math.exp2 %add3A_522 : vector<512x512xf32>
    %broadcast_in_dim3A_524 = arith.constant 1.000000e+00 : f32
    %broadcast_in_dim3A_525 = vector.broadcast %broadcast_in_dim3A_524 : f32 to vector<512x1xf32>
    %concatenate3A_526 = tpu.concatenate %dot_general3A_494, %broadcast_in_dim3A_525 in 1 : vector<512x64xf32>, vector<512x1xf32> -> vector<512x65xf32>
    %dot_general3A_527 = arith.constant dense<0.000000e+00> : vector<512x65xf32>
    %dot_general3A_528 = tpu.matmul %exp23A_523, %concatenate3A_526, %dot_general3A_527 {dimension_numbers = #tpu.dot_dimension_numbers<[1], [0], [0], [1], [0, 0, 1, 1], [], []>, transpose_lhs_hint = false} : vector<512x512xf32>, vector<512x65xf32>, vector<512x65xf32> -> vector<512x65xf32>
    %slice3A_529 = vector.extract_strided_slice %dot_general3A_528 {offsets = [0, 0], sizes = [512, 64], strides = [1, 1]} : vector<512x65xf32> to vector<512x64xf32>
    %slice3A_530 = vector.extract_strided_slice %dot_general3A_528 {offsets = [0, 64], sizes = [512, 1], strides = [1, 1]} : vector<512x65xf32> to vector<512x1xf32>
    %add3A_531 = arith.constant 1.000000e-16 : f32
    %add3A_532 = vector.broadcast %add3A_531 : f32 to vector<512x1xf32>
    %add3A_533 = arith.addf %slice3A_530, %add3A_532 : vector<512x1xf32>
    %div3A_534 = vector.broadcast %add3A_533 : vector<512x1xf32> to vector<512x64xf32>
    %div3A_535 = arith.divf %slice3A_529, %div3A_534 : vector<512x64xf32>
    %get3A_536 = arith.constant 0 : index
    %get3A_537 = arith.constant 0 : index
    %get3A_538 = vector.load %arg24[%get3A_536, %get3A_537] : memref<1x64xf32, #tpu.memory_space<vmem>>, vector<1x64xf32>
    %add3A_539 = vector.broadcast %get3A_538 : vector<1x64xf32> to vector<512x64xf32>
    %add3A_540 = arith.addf %div3A_535, %add3A_539 : vector<512x64xf32>
    %gt3A_541 = arith.constant 0.000000e+00 : f32
    %gt3A_542 = vector.broadcast %gt3A_541 : f32 to vector<512x64xf32>
    %gt3A_543 = arith.cmpf ogt, %add3A_540, %gt3A_542 : vector<512x64xf32>
    %mul3A_544 = arith.constant 2.000000e-01 : f32
    %mul3A_545 = vector.broadcast %mul3A_544 : f32 to vector<512x64xf32>
    %mul3A_546 = arith.mulf %mul3A_545, %add3A_540 : vector<512x64xf32>
    %select_n3A_547 = arith.select %gt3A_543, %add3A_540, %mul3A_546 : vector<512x64xi1>, vector<512x64xf32>
    %slice3A_548 = vector.extract_strided_slice %select_n3A_489 {offsets = [0, 0], sizes = [501, 64], strides = [1, 1]} : vector<512x64xf32> to vector<501x64xf32>
    %swap3A_549 = arith.constant 1 : index
    %swap3A_550 = arith.constant 0 : index
    %swap3A_551 = arith.constant 0 : index
    %swap3A_552 = arith.constant 0 : index
    %swap3A_553 = vector.load %arg25[%swap3A_549, %swap3A_550, %swap3A_551, %swap3A_552] : memref<4x2x501x64xf32, #tpu.memory_space<vmem>>, vector<1x1x501x64xf32>
    %swap3A_554 = vector.shape_cast %swap3A_553 : vector<1x1x501x64xf32> to vector<501x64xf32>
    %swap3A_555 = vector.shape_cast %slice3A_548 : vector<501x64xf32> to vector<1x1x501x64xf32>
    tpu.vector_store %arg25[%swap3A_549, %swap3A_550, %swap3A_551, %swap3A_552], %swap3A_555 {strides = array<i32>} : memref<4x2x501x64xf32, #tpu.memory_space<vmem>>, vector<1x1x501x64xf32>,
    %slice3A_556 = vector.extract_strided_slice %select_n3A_547 {offsets = [0, 0], sizes = [501, 64], strides = [1, 1]} : vector<512x64xf32> to vector<501x64xf32>
    %swap3A_557 = arith.constant 1 : index
    %swap3A_558 = arith.constant 1 : index
    %swap3A_559 = arith.constant 0 : index
    %swap3A_560 = arith.constant 0 : index
    %swap3A_561 = vector.load %arg25[%swap3A_557, %swap3A_558, %swap3A_559, %swap3A_560] : memref<4x2x501x64xf32, #tpu.memory_space<vmem>>, vector<1x1x501x64xf32>
    %swap3A_562 = vector.shape_cast %swap3A_561 : vector<1x1x501x64xf32> to vector<501x64xf32>
    %swap3A_563 = vector.shape_cast %slice3A_556 : vector<501x64xf32> to vector<1x1x501x64xf32>
    tpu.vector_store %arg25[%swap3A_557, %swap3A_558, %swap3A_559, %swap3A_560], %swap3A_563 {strides = array<i32>} : memref<4x2x501x64xf32, #tpu.memory_space<vmem>>, vector<1x1x501x64xf32>,
    %get3A_564 = arith.constant 2 : index
    %get3A_565 = arith.constant 0 : index
    %get3A_566 = arith.constant 0 : index
    %get3A_567 = vector.load %arg3[%get3A_564, %get3A_565, %get3A_566] : memref<4x1x64xf32, #tpu.memory_space<vmem>>, vector<1x1x64xf32>
    %get3A_568 = vector.shape_cast %get3A_567 : vector<1x1x64xf32> to vector<1x64xf32>
    %get3A_569 = arith.constant 0 : index
    %get3A_570 = arith.constant 0 : index
    %get3A_571 = vector.load %arg4[%get3A_569, %get3A_570] : memref<128x64xf32, #tpu.memory_space<vmem>>, vector<128x64xf32>
    %dot_general3A_572 = arith.constant dense<0.000000e+00> : vector<1x128xf32>
    %dot_general3A_573 = tpu.matmul %get3A_568, %get3A_571, %dot_general3A_572 {dimension_numbers = #tpu.dot_dimension_numbers<[1], [1], [0], [0], [0, 0, 1, 0], [], []>, transpose_lhs_hint = false} : vector<1x64xf32>, vector<128x64xf32>, vector<1x128xf32> -> vector<1x128xf32>
    %get3A_574 = arith.constant 0 : index
    %get3A_575 = arith.constant 0 : index
    %get3A_576 = vector.load %arg5[%get3A_574, %get3A_575] : memref<1x128xf32, #tpu.memory_space<vmem>>, vector<1x128xf32>
    %add3A_577 = arith.addf %dot_general3A_573, %get3A_576 : vector<1x128xf32>
    %get3A_578 = arith.constant 0 : index
    %get3A_579 = arith.constant 0 : index
    %get3A_580 = vector.load %arg6[%get3A_578, %get3A_579] : memref<128x64xf32, #tpu.memory_space<vmem>>, vector<128x64xf32>
    %dot_general3A_581 = arith.constant dense<0.000000e+00> : vector<1x128xf32>
    %dot_general3A_582 = tpu.matmul %get3A_568, %get3A_580, %dot_general3A_581 {dimension_numbers = #tpu.dot_dimension_numbers<[1], [1], [0], [0], [0, 0, 1, 0], [], []>, transpose_lhs_hint = false} : vector<1x64xf32>, vector<128x64xf32>, vector<1x128xf32> -> vector<1x128xf32>
    %get3A_583 = arith.constant 0 : index
    %get3A_584 = arith.constant 0 : index
    %get3A_585 = vector.load %arg7[%get3A_583, %get3A_584] : memref<1x128xf32, #tpu.memory_space<vmem>>, vector<1x128xf32>
    %add3A_586 = arith.addf %dot_general3A_582, %get3A_585 : vector<1x128xf32>
    %get3A_587 = arith.constant 2 : index
    %get3A_588 = arith.constant 0 : index
    %get3A_589 = arith.constant 0 : index
    %get3A_590 = arith.constant 0 : index
    %get3A_591 = vector.load %arg1[%get3A_587, %get3A_588, %get3A_589, %get3A_590] : memref<4x1x500x128xf32, #tpu.memory_space<vmem>>, vector<1x1x500x128xf32>
    %get3A_592 = vector.shape_cast %get3A_591 : vector<1x1x500x128xf32> to vector<500x128xf32>
    %concatenate3A_593 = tpu.concatenate %get3A_592, %add3A_577, %broadcast_in_dim3A_4 in 0 : vector<500x128xf32>, vector<1x128xf32>, vector<11x128xf32> -> vector<512x128xf32>
    %get3A_594 = arith.constant 2 : index
    %get3A_595 = arith.constant 0 : index
    %get3A_596 = arith.constant 0 : index
    %get3A_597 = arith.constant 0 : index
    %get3A_598 = vector.load %arg2[%get3A_594, %get3A_595, %get3A_596, %get3A_597] : memref<4x1x500x128xf32, #tpu.memory_space<vmem>>, vector<1x1x500x128xf32>
    %get3A_599 = vector.shape_cast %get3A_598 : vector<1x1x500x128xf32> to vector<500x128xf32>
    %concatenate3A_600 = tpu.concatenate %get3A_599, %add3A_586, %broadcast_in_dim3A_4 in 0 : vector<500x128xf32>, vector<1x128xf32>, vector<11x128xf32> -> vector<512x128xf32>
    %get3A_601 = arith.constant 0 : index
    %get3A_602 = arith.constant 0 : index
    %get3A_603 = vector.load %arg9[%get3A_601, %get3A_602] : memref<64x128xf32, #tpu.memory_space<vmem>>, vector<64x128xf32>
    %dot_general3A_604 = arith.constant dense<0.000000e+00> : vector<512x64xf32>
    %dot_general3A_605 = tpu.matmul %concatenate3A_593, %get3A_603, %dot_general3A_604 {dimension_numbers = #tpu.dot_dimension_numbers<[1], [1], [0], [0], [0, 0, 1, 0], [], []>, transpose_lhs_hint = false} : vector<512x128xf32>, vector<64x128xf32>, vector<512x64xf32> -> vector<512x64xf32>
    %get3A_606 = arith.constant 0 : index
    %get3A_607 = arith.constant 0 : index
    %get3A_608 = vector.load %arg10[%get3A_606, %get3A_607] : memref<1x64xf32, #tpu.memory_space<vmem>>, vector<1x64xf32>
    %dot_general3A_609 = arith.constant dense<0.000000e+00> : vector<1x512xf32>
    %dot_general3A_610 = tpu.matmul %get3A_608, %dot_general3A_605, %dot_general3A_609 {dimension_numbers = #tpu.dot_dimension_numbers<[1], [1], [0], [0], [0, 0, 1, 0], [], []>, transpose_lhs_hint = false} : vector<1x64xf32>, vector<512x64xf32>, vector<1x512xf32> -> vector<1x512xf32>
    %mul3A_611 = arith.constant 1.44269502 : f32
    %mul3A_612 = vector.broadcast %mul3A_611 : f32 to vector<1x512xf32>
    %mul3A_613 = arith.mulf %dot_general3A_610, %mul3A_612 : vector<1x512xf32>
    %get3A_614 = arith.constant 0 : index
    %get3A_615 = arith.constant 0 : index
    %get3A_616 = vector.load %arg11[%get3A_614, %get3A_615] : memref<1x64xf32, #tpu.memory_space<vmem>>, vector<1x64xf32>
    %dot_general3A_617 = arith.constant dense<0.000000e+00> : vector<1x512xf32>
    %dot_general3A_618 = tpu.matmul %get3A_616, %dot_general3A_605, %dot_general3A_617 {dimension_numbers = #tpu.dot_dimension_numbers<[1], [1], [0], [0], [0, 0, 1, 0], [], []>, transpose_lhs_hint = false} : vector<1x64xf32>, vector<512x64xf32>, vector<1x512xf32> -> vector<1x512xf32>
    %mul3A_619 = arith.constant 1.44269502 : f32
    %mul3A_620 = vector.broadcast %mul3A_619 : f32 to vector<1x512xf32>
    %mul3A_621 = arith.mulf %dot_general3A_618, %mul3A_620 : vector<1x512xf32>
    %reshape3A_622 = vector.shape_cast %mul3A_621 : vector<1x512xf32> to vector<512x1xf32>
    %add3A_623 = vector.broadcast %mul3A_613 : vector<1x512xf32> to vector<512x512xf32>
    %add3A_624 = vector.broadcast %reshape3A_622 : vector<512x1xf32> to vector<512x512xf32>
    %add3A_625 = arith.addf %add3A_623, %add3A_624 : vector<512x512xf32>
    %gt3A_626 = arith.constant 0.000000e+00 : f32
    %gt3A_627 = vector.broadcast %gt3A_626 : f32 to vector<512x512xf32>
    %gt3A_628 = arith.cmpf ogt, %add3A_625, %gt3A_627 : vector<512x512xf32>
    %mul3A_629 = arith.constant 2.000000e-01 : f32
    %mul3A_630 = vector.broadcast %mul3A_629 : f32 to vector<512x512xf32>
    %mul3A_631 = arith.mulf %mul3A_630, %add3A_625 : vector<512x512xf32>
    %select_n3A_632 = arith.select %gt3A_628, %add3A_625, %mul3A_631 : vector<512x512xi1>, vector<512x512xf32>
    %add3A_633 = arith.addf %select_n3A_632, %get3A_3 : vector<512x512xf32>
    %exp23A_634 = math.exp2 %add3A_633 : vector<512x512xf32>
    %broadcast_in_dim3A_635 = arith.constant 1.000000e+00 : f32
    %broadcast_in_dim3A_636 = vector.broadcast %broadcast_in_dim3A_635 : f32 to vector<512x1xf32>
    %concatenate3A_637 = tpu.concatenate %dot_general3A_605, %broadcast_in_dim3A_636 in 1 : vector<512x64xf32>, vector<512x1xf32> -> vector<512x65xf32>
    %dot_general3A_638 = arith.constant dense<0.000000e+00> : vector<512x65xf32>
    %dot_general3A_639 = tpu.matmul %exp23A_634, %concatenate3A_637, %dot_general3A_638 {dimension_numbers = #tpu.dot_dimension_numbers<[1], [0], [0], [1], [0, 0, 1, 1], [], []>, transpose_lhs_hint = false} : vector<512x512xf32>, vector<512x65xf32>, vector<512x65xf32> -> vector<512x65xf32>
    %slice3A_640 = vector.extract_strided_slice %dot_general3A_639 {offsets = [0, 0], sizes = [512, 64], strides = [1, 1]} : vector<512x65xf32> to vector<512x64xf32>
    %slice3A_641 = vector.extract_strided_slice %dot_general3A_639 {offsets = [0, 64], sizes = [512, 1], strides = [1, 1]} : vector<512x65xf32> to vector<512x1xf32>
    %add3A_642 = arith.constant 1.000000e-16 : f32
    %add3A_643 = vector.broadcast %add3A_642 : f32 to vector<512x1xf32>
    %add3A_644 = arith.addf %slice3A_641, %add3A_643 : vector<512x1xf32>
    %div3A_645 = vector.broadcast %add3A_644 : vector<512x1xf32> to vector<512x64xf32>
    %div3A_646 = arith.divf %slice3A_640, %div3A_645 : vector<512x64xf32>
    %get3A_647 = arith.constant 0 : index
    %get3A_648 = arith.constant 0 : index
    %get3A_649 = vector.load %arg12[%get3A_647, %get3A_648] : memref<1x64xf32, #tpu.memory_space<vmem>>, vector<1x64xf32>
    %add3A_650 = vector.broadcast %get3A_649 : vector<1x64xf32> to vector<512x64xf32>
    %add3A_651 = arith.addf %div3A_646, %add3A_650 : vector<512x64xf32>
    %gt3A_652 = arith.constant 0.000000e+00 : f32
    %gt3A_653 = vector.broadcast %gt3A_652 : f32 to vector<512x64xf32>
    %gt3A_654 = arith.cmpf ogt, %add3A_651, %gt3A_653 : vector<512x64xf32>
    %mul3A_655 = arith.constant 2.000000e-01 : f32
    %mul3A_656 = vector.broadcast %mul3A_655 : f32 to vector<512x64xf32>
    %mul3A_657 = arith.mulf %mul3A_656, %add3A_651 : vector<512x64xf32>
    %select_n3A_658 = arith.select %gt3A_654, %add3A_651, %mul3A_657 : vector<512x64xi1>, vector<512x64xf32>
    %get3A_659 = arith.constant 0 : index
    %get3A_660 = arith.constant 0 : index
    %get3A_661 = vector.load %arg17[%get3A_659, %get3A_660] : memref<64x128xf32, #tpu.memory_space<vmem>>, vector<64x128xf32>
    %dot_general3A_662 = arith.constant dense<0.000000e+00> : vector<512x64xf32>
    %dot_general3A_663 = tpu.matmul %concatenate3A_600, %get3A_661, %dot_general3A_662 {dimension_numbers = #tpu.dot_dimension_numbers<[1], [1], [0], [0], [0, 0, 1, 0], [], []>, transpose_lhs_hint = false} : vector<512x128xf32>, vector<64x128xf32>, vector<512x64xf32> -> vector<512x64xf32>
    %get3A_664 = arith.constant 0 : index
    %get3A_665 = arith.constant 0 : index
    %get3A_666 = vector.load %arg18[%get3A_664, %get3A_665] : memref<1x64xf32, #tpu.memory_space<vmem>>, vector<1x64xf32>
    %dot_general3A_667 = arith.constant dense<0.000000e+00> : vector<1x512xf32>
    %dot_general3A_668 = tpu.matmul %get3A_666, %dot_general3A_663, %dot_general3A_667 {dimension_numbers = #tpu.dot_dimension_numbers<[1], [1], [0], [0], [0, 0, 1, 0], [], []>, transpose_lhs_hint = false} : vector<1x64xf32>, vector<512x64xf32>, vector<1x512xf32> -> vector<1x512xf32>
    %mul3A_669 = arith.constant 1.44269502 : f32
    %mul3A_670 = vector.broadcast %mul3A_669 : f32 to vector<1x512xf32>
    %mul3A_671 = arith.mulf %dot_general3A_668, %mul3A_670 : vector<1x512xf32>
    %get3A_672 = arith.constant 0 : index
    %get3A_673 = arith.constant 0 : index
    %get3A_674 = vector.load %arg19[%get3A_672, %get3A_673] : memref<1x64xf32, #tpu.memory_space<vmem>>, vector<1x64xf32>
    %dot_general3A_675 = arith.constant dense<0.000000e+00> : vector<1x512xf32>
    %dot_general3A_676 = tpu.matmul %get3A_674, %dot_general3A_663, %dot_general3A_675 {dimension_numbers = #tpu.dot_dimension_numbers<[1], [1], [0], [0], [0, 0, 1, 0], [], []>, transpose_lhs_hint = false} : vector<1x64xf32>, vector<512x64xf32>, vector<1x512xf32> -> vector<1x512xf32>
    %mul3A_677 = arith.constant 1.44269502 : f32
    %mul3A_678 = vector.broadcast %mul3A_677 : f32 to vector<1x512xf32>
    %mul3A_679 = arith.mulf %dot_general3A_676, %mul3A_678 : vector<1x512xf32>
    %reshape3A_680 = vector.shape_cast %mul3A_679 : vector<1x512xf32> to vector<512x1xf32>
    %add3A_681 = vector.broadcast %mul3A_671 : vector<1x512xf32> to vector<512x512xf32>
    %add3A_682 = vector.broadcast %reshape3A_680 : vector<512x1xf32> to vector<512x512xf32>
    %add3A_683 = arith.addf %add3A_681, %add3A_682 : vector<512x512xf32>
    %gt3A_684 = arith.constant 0.000000e+00 : f32
    %gt3A_685 = vector.broadcast %gt3A_684 : f32 to vector<512x512xf32>
    %gt3A_686 = arith.cmpf ogt, %add3A_683, %gt3A_685 : vector<512x512xf32>
    %mul3A_687 = arith.constant 2.000000e-01 : f32
    %mul3A_688 = vector.broadcast %mul3A_687 : f32 to vector<512x512xf32>
    %mul3A_689 = arith.mulf %mul3A_688, %add3A_683 : vector<512x512xf32>
    %select_n3A_690 = arith.select %gt3A_686, %add3A_683, %mul3A_689 : vector<512x512xi1>, vector<512x512xf32>
    %add3A_691 = arith.addf %select_n3A_690, %get3A_3 : vector<512x512xf32>
    %exp23A_692 = math.exp2 %add3A_691 : vector<512x512xf32>
    %broadcast_in_dim3A_693 = arith.constant 1.000000e+00 : f32
    %broadcast_in_dim3A_694 = vector.broadcast %broadcast_in_dim3A_693 : f32 to vector<512x1xf32>
    %concatenate3A_695 = tpu.concatenate %dot_general3A_663, %broadcast_in_dim3A_694 in 1 : vector<512x64xf32>, vector<512x1xf32> -> vector<512x65xf32>
    %dot_general3A_696 = arith.constant dense<0.000000e+00> : vector<512x65xf32>
    %dot_general3A_697 = tpu.matmul %exp23A_692, %concatenate3A_695, %dot_general3A_696 {dimension_numbers = #tpu.dot_dimension_numbers<[1], [0], [0], [1], [0, 0, 1, 1], [], []>, transpose_lhs_hint = false} : vector<512x512xf32>, vector<512x65xf32>, vector<512x65xf32> -> vector<512x65xf32>
    %slice3A_698 = vector.extract_strided_slice %dot_general3A_697 {offsets = [0, 0], sizes = [512, 64], strides = [1, 1]} : vector<512x65xf32> to vector<512x64xf32>
    %slice3A_699 = vector.extract_strided_slice %dot_general3A_697 {offsets = [0, 64], sizes = [512, 1], strides = [1, 1]} : vector<512x65xf32> to vector<512x1xf32>
    %add3A_700 = arith.constant 1.000000e-16 : f32
    %add3A_701 = vector.broadcast %add3A_700 : f32 to vector<512x1xf32>
    %add3A_702 = arith.addf %slice3A_699, %add3A_701 : vector<512x1xf32>
    %div3A_703 = vector.broadcast %add3A_702 : vector<512x1xf32> to vector<512x64xf32>
    %div3A_704 = arith.divf %slice3A_698, %div3A_703 : vector<512x64xf32>
    %get3A_705 = arith.constant 0 : index
    %get3A_706 = arith.constant 0 : index
    %get3A_707 = vector.load %arg20[%get3A_705, %get3A_706] : memref<1x64xf32, #tpu.memory_space<vmem>>, vector<1x64xf32>
    %add3A_708 = vector.broadcast %get3A_707 : vector<1x64xf32> to vector<512x64xf32>
    %add3A_709 = arith.addf %div3A_704, %add3A_708 : vector<512x64xf32>
    %gt3A_710 = arith.constant 0.000000e+00 : f32
    %gt3A_711 = vector.broadcast %gt3A_710 : f32 to vector<512x64xf32>
    %gt3A_712 = arith.cmpf ogt, %add3A_709, %gt3A_711 : vector<512x64xf32>
    %mul3A_713 = arith.constant 2.000000e-01 : f32
    %mul3A_714 = vector.broadcast %mul3A_713 : f32 to vector<512x64xf32>
    %mul3A_715 = arith.mulf %mul3A_714, %add3A_709 : vector<512x64xf32>
    %select_n3A_716 = arith.select %gt3A_712, %add3A_709, %mul3A_715 : vector<512x64xi1>, vector<512x64xf32>
    %get3A_717 = arith.constant 0 : index
    %get3A_718 = arith.constant 0 : index
    %get3A_719 = vector.load %arg13[%get3A_717, %get3A_718] : memref<64x64xf32, #tpu.memory_space<vmem>>, vector<64x64xf32>
    %dot_general3A_720 = arith.constant dense<0.000000e+00> : vector<512x64xf32>
    %dot_general3A_721 = tpu.matmul %select_n3A_658, %get3A_719, %dot_general3A_720 {dimension_numbers = #tpu.dot_dimension_numbers<[1], [1], [0], [0], [0, 0, 1, 0], [], []>, transpose_lhs_hint = false} : vector<512x64xf32>, vector<64x64xf32>, vector<512x64xf32> -> vector<512x64xf32>
    %get3A_722 = arith.constant 0 : index
    %get3A_723 = arith.constant 0 : index
    %get3A_724 = vector.load %arg14[%get3A_722, %get3A_723] : memref<1x64xf32, #tpu.memory_space<vmem>>, vector<1x64xf32>
    %dot_general3A_725 = arith.constant dense<0.000000e+00> : vector<1x512xf32>
    %dot_general3A_726 = tpu.matmul %get3A_724, %dot_general3A_721, %dot_general3A_725 {dimension_numbers = #tpu.dot_dimension_numbers<[1], [1], [0], [0], [0, 0, 1, 0], [], []>, transpose_lhs_hint = false} : vector<1x64xf32>, vector<512x64xf32>, vector<1x512xf32> -> vector<1x512xf32>
    %mul3A_727 = arith.constant 1.44269502 : f32
    %mul3A_728 = vector.broadcast %mul3A_727 : f32 to vector<1x512xf32>
    %mul3A_729 = arith.mulf %dot_general3A_726, %mul3A_728 : vector<1x512xf32>
    %get3A_730 = arith.constant 0 : index
    %get3A_731 = arith.constant 0 : index
    %get3A_732 = vector.load %arg15[%get3A_730, %get3A_731] : memref<1x64xf32, #tpu.memory_space<vmem>>, vector<1x64xf32>
    %dot_general3A_733 = arith.constant dense<0.000000e+00> : vector<1x512xf32>
    %dot_general3A_734 = tpu.matmul %get3A_732, %dot_general3A_721, %dot_general3A_733 {dimension_numbers = #tpu.dot_dimension_numbers<[1], [1], [0], [0], [0, 0, 1, 0], [], []>, transpose_lhs_hint = false} : vector<1x64xf32>, vector<512x64xf32>, vector<1x512xf32> -> vector<1x512xf32>
    %mul3A_735 = arith.constant 1.44269502 : f32
    %mul3A_736 = vector.broadcast %mul3A_735 : f32 to vector<1x512xf32>
    %mul3A_737 = arith.mulf %dot_general3A_734, %mul3A_736 : vector<1x512xf32>
    %reshape3A_738 = vector.shape_cast %mul3A_737 : vector<1x512xf32> to vector<512x1xf32>
    %add3A_739 = vector.broadcast %mul3A_729 : vector<1x512xf32> to vector<512x512xf32>
    %add3A_740 = vector.broadcast %reshape3A_738 : vector<512x1xf32> to vector<512x512xf32>
    %add3A_741 = arith.addf %add3A_739, %add3A_740 : vector<512x512xf32>
    %gt3A_742 = arith.constant 0.000000e+00 : f32
    %gt3A_743 = vector.broadcast %gt3A_742 : f32 to vector<512x512xf32>
    %gt3A_744 = arith.cmpf ogt, %add3A_741, %gt3A_743 : vector<512x512xf32>
    %mul3A_745 = arith.constant 2.000000e-01 : f32
    %mul3A_746 = vector.broadcast %mul3A_745 : f32 to vector<512x512xf32>
    %mul3A_747 = arith.mulf %mul3A_746, %add3A_741 : vector<512x512xf32>
    %select_n3A_748 = arith.select %gt3A_744, %add3A_741, %mul3A_747 : vector<512x512xi1>, vector<512x512xf32>
    %add3A_749 = arith.addf %select_n3A_748, %get3A_3 : vector<512x512xf32>
    %exp23A_750 = math.exp2 %add3A_749 : vector<512x512xf32>
    %broadcast_in_dim3A_751 = arith.constant 1.000000e+00 : f32
    %broadcast_in_dim3A_752 = vector.broadcast %broadcast_in_dim3A_751 : f32 to vector<512x1xf32>
    %concatenate3A_753 = tpu.concatenate %dot_general3A_721, %broadcast_in_dim3A_752 in 1 : vector<512x64xf32>, vector<512x1xf32> -> vector<512x65xf32>
    %dot_general3A_754 = arith.constant dense<0.000000e+00> : vector<512x65xf32>
    %dot_general3A_755 = tpu.matmul %exp23A_750, %concatenate3A_753, %dot_general3A_754 {dimension_numbers = #tpu.dot_dimension_numbers<[1], [0], [0], [1], [0, 0, 1, 1], [], []>, transpose_lhs_hint = false} : vector<512x512xf32>, vector<512x65xf32>, vector<512x65xf32> -> vector<512x65xf32>
    %slice3A_756 = vector.extract_strided_slice %dot_general3A_755 {offsets = [0, 0], sizes = [512, 64], strides = [1, 1]} : vector<512x65xf32> to vector<512x64xf32>
    %slice3A_757 = vector.extract_strided_slice %dot_general3A_755 {offsets = [0, 64], sizes = [512, 1], strides = [1, 1]} : vector<512x65xf32> to vector<512x1xf32>
    %add3A_758 = arith.constant 1.000000e-16 : f32
    %add3A_759 = vector.broadcast %add3A_758 : f32 to vector<512x1xf32>
    %add3A_760 = arith.addf %slice3A_757, %add3A_759 : vector<512x1xf32>
    %div3A_761 = vector.broadcast %add3A_760 : vector<512x1xf32> to vector<512x64xf32>
    %div3A_762 = arith.divf %slice3A_756, %div3A_761 : vector<512x64xf32>
    %get3A_763 = arith.constant 0 : index
    %get3A_764 = arith.constant 0 : index
    %get3A_765 = vector.load %arg16[%get3A_763, %get3A_764] : memref<1x64xf32, #tpu.memory_space<vmem>>, vector<1x64xf32>
    %add3A_766 = vector.broadcast %get3A_765 : vector<1x64xf32> to vector<512x64xf32>
    %add3A_767 = arith.addf %div3A_762, %add3A_766 : vector<512x64xf32>
    %gt3A_768 = arith.constant 0.000000e+00 : f32
    %gt3A_769 = vector.broadcast %gt3A_768 : f32 to vector<512x64xf32>
    %gt3A_770 = arith.cmpf ogt, %add3A_767, %gt3A_769 : vector<512x64xf32>
    %mul3A_771 = arith.constant 2.000000e-01 : f32
    %mul3A_772 = vector.broadcast %mul3A_771 : f32 to vector<512x64xf32>
    %mul3A_773 = arith.mulf %mul3A_772, %add3A_767 : vector<512x64xf32>
    %select_n3A_774 = arith.select %gt3A_770, %add3A_767, %mul3A_773 : vector<512x64xi1>, vector<512x64xf32>
    %get3A_775 = arith.constant 0 : index
    %get3A_776 = arith.constant 0 : index
    %get3A_777 = vector.load %arg21[%get3A_775, %get3A_776] : memref<64x64xf32, #tpu.memory_space<vmem>>, vector<64x64xf32>
    %dot_general3A_778 = arith.constant dense<0.000000e+00> : vector<512x64xf32>
    %dot_general3A_779 = tpu.matmul %select_n3A_716, %get3A_777, %dot_general3A_778 {dimension_numbers = #tpu.dot_dimension_numbers<[1], [1], [0], [0], [0, 0, 1, 0], [], []>, transpose_lhs_hint = false} : vector<512x64xf32>, vector<64x64xf32>, vector<512x64xf32> -> vector<512x64xf32>
    %get3A_780 = arith.constant 0 : index
    %get3A_781 = arith.constant 0 : index
    %get3A_782 = vector.load %arg22[%get3A_780, %get3A_781] : memref<1x64xf32, #tpu.memory_space<vmem>>, vector<1x64xf32>
    %dot_general3A_783 = arith.constant dense<0.000000e+00> : vector<1x512xf32>
    %dot_general3A_784 = tpu.matmul %get3A_782, %dot_general3A_779, %dot_general3A_783 {dimension_numbers = #tpu.dot_dimension_numbers<[1], [1], [0], [0], [0, 0, 1, 0], [], []>, transpose_lhs_hint = false} : vector<1x64xf32>, vector<512x64xf32>, vector<1x512xf32> -> vector<1x512xf32>
    %mul3A_785 = arith.constant 1.44269502 : f32
    %mul3A_786 = vector.broadcast %mul3A_785 : f32 to vector<1x512xf32>
    %mul3A_787 = arith.mulf %dot_general3A_784, %mul3A_786 : vector<1x512xf32>
    %get3A_788 = arith.constant 0 : index
    %get3A_789 = arith.constant 0 : index
    %get3A_790 = vector.load %arg23[%get3A_788, %get3A_789] : memref<1x64xf32, #tpu.memory_space<vmem>>, vector<1x64xf32>
    %dot_general3A_791 = arith.constant dense<0.000000e+00> : vector<1x512xf32>
    %dot_general3A_792 = tpu.matmul %get3A_790, %dot_general3A_779, %dot_general3A_791 {dimension_numbers = #tpu.dot_dimension_numbers<[1], [1], [0], [0], [0, 0, 1, 0], [], []>, transpose_lhs_hint = false} : vector<1x64xf32>, vector<512x64xf32>, vector<1x512xf32> -> vector<1x512xf32>
    %mul3A_793 = arith.constant 1.44269502 : f32
    %mul3A_794 = vector.broadcast %mul3A_793 : f32 to vector<1x512xf32>
    %mul3A_795 = arith.mulf %dot_general3A_792, %mul3A_794 : vector<1x512xf32>
    %reshape3A_796 = vector.shape_cast %mul3A_795 : vector<1x512xf32> to vector<512x1xf32>
    %add3A_797 = vector.broadcast %mul3A_787 : vector<1x512xf32> to vector<512x512xf32>
    %add3A_798 = vector.broadcast %reshape3A_796 : vector<512x1xf32> to vector<512x512xf32>
    %add3A_799 = arith.addf %add3A_797, %add3A_798 : vector<512x512xf32>
    %gt3A_800 = arith.constant 0.000000e+00 : f32
    %gt3A_801 = vector.broadcast %gt3A_800 : f32 to vector<512x512xf32>
    %gt3A_802 = arith.cmpf ogt, %add3A_799, %gt3A_801 : vector<512x512xf32>
    %mul3A_803 = arith.constant 2.000000e-01 : f32
    %mul3A_804 = vector.broadcast %mul3A_803 : f32 to vector<512x512xf32>
    %mul3A_805 = arith.mulf %mul3A_804, %add3A_799 : vector<512x512xf32>
    %select_n3A_806 = arith.select %gt3A_802, %add3A_799, %mul3A_805 : vector<512x512xi1>, vector<512x512xf32>
    %add3A_807 = arith.addf %select_n3A_806, %get3A_3 : vector<512x512xf32>
    %exp23A_808 = math.exp2 %add3A_807 : vector<512x512xf32>
    %broadcast_in_dim3A_809 = arith.constant 1.000000e+00 : f32
    %broadcast_in_dim3A_810 = vector.broadcast %broadcast_in_dim3A_809 : f32 to vector<512x1xf32>
    %concatenate3A_811 = tpu.concatenate %dot_general3A_779, %broadcast_in_dim3A_810 in 1 : vector<512x64xf32>, vector<512x1xf32> -> vector<512x65xf32>
    %dot_general3A_812 = arith.constant dense<0.000000e+00> : vector<512x65xf32>
    %dot_general3A_813 = tpu.matmul %exp23A_808, %concatenate3A_811, %dot_general3A_812 {dimension_numbers = #tpu.dot_dimension_numbers<[1], [0], [0], [1], [0, 0, 1, 1], [], []>, transpose_lhs_hint = false} : vector<512x512xf32>, vector<512x65xf32>, vector<512x65xf32> -> vector<512x65xf32>
    %slice3A_814 = vector.extract_strided_slice %dot_general3A_813 {offsets = [0, 0], sizes = [512, 64], strides = [1, 1]} : vector<512x65xf32> to vector<512x64xf32>
    %slice3A_815 = vector.extract_strided_slice %dot_general3A_813 {offsets = [0, 64], sizes = [512, 1], strides = [1, 1]} : vector<512x65xf32> to vector<512x1xf32>
    %add3A_816 = arith.constant 1.000000e-16 : f32
    %add3A_817 = vector.broadcast %add3A_816 : f32 to vector<512x1xf32>
    %add3A_818 = arith.addf %slice3A_815, %add3A_817 : vector<512x1xf32>
    %div3A_819 = vector.broadcast %add3A_818 : vector<512x1xf32> to vector<512x64xf32>
    %div3A_820 = arith.divf %slice3A_814, %div3A_819 : vector<512x64xf32>
    %get3A_821 = arith.constant 0 : index
    %get3A_822 = arith.constant 0 : index
    %get3A_823 = vector.load %arg24[%get3A_821, %get3A_822] : memref<1x64xf32, #tpu.memory_space<vmem>>, vector<1x64xf32>
    %add3A_824 = vector.broadcast %get3A_823 : vector<1x64xf32> to vector<512x64xf32>
    %add3A_825 = arith.addf %div3A_820, %add3A_824 : vector<512x64xf32>
    %gt3A_826 = arith.constant 0.000000e+00 : f32
    %gt3A_827 = vector.broadcast %gt3A_826 : f32 to vector<512x64xf32>
    %gt3A_828 = arith.cmpf ogt, %add3A_825, %gt3A_827 : vector<512x64xf32>
    %mul3A_829 = arith.constant 2.000000e-01 : f32
    %mul3A_830 = vector.broadcast %mul3A_829 : f32 to vector<512x64xf32>
    %mul3A_831 = arith.mulf %mul3A_830, %add3A_825 : vector<512x64xf32>
    %select_n3A_832 = arith.select %gt3A_828, %add3A_825, %mul3A_831 : vector<512x64xi1>, vector<512x64xf32>
    %slice3A_833 = vector.extract_strided_slice %select_n3A_774 {offsets = [0, 0], sizes = [501, 64], strides = [1, 1]} : vector<512x64xf32> to vector<501x64xf32>
    %swap3A_834 = arith.constant 2 : index
    %swap3A_835 = arith.constant 0 : index
    %swap3A_836 = arith.constant 0 : index
    %swap3A_837 = arith.constant 0 : index
    %swap3A_838 = vector.load %arg25[%swap3A_834, %swap3A_835, %swap3A_836, %swap3A_837] : memref<4x2x501x64xf32, #tpu.memory_space<vmem>>, vector<1x1x501x64xf32>
    %swap3A_839 = vector.shape_cast %swap3A_838 : vector<1x1x501x64xf32> to vector<501x64xf32>
    %swap3A_840 = vector.shape_cast %slice3A_833 : vector<501x64xf32> to vector<1x1x501x64xf32>
    tpu.vector_store %arg25[%swap3A_834, %swap3A_835, %swap3A_836, %swap3A_837], %swap3A_840 {strides = array<i32>} : memref<4x2x501x64xf32, #tpu.memory_space<vmem>>, vector<1x1x501x64xf32>,
    %slice3A_841 = vector.extract_strided_slice %select_n3A_832 {offsets = [0, 0], sizes = [501, 64], strides = [1, 1]} : vector<512x64xf32> to vector<501x64xf32>
    %swap3A_842 = arith.constant 2 : index
    %swap3A_843 = arith.constant 1 : index
    %swap3A_844 = arith.constant 0 : index
    %swap3A_845 = arith.constant 0 : index
    %swap3A_846 = vector.load %arg25[%swap3A_842, %swap3A_843, %swap3A_844, %swap3A_845] : memref<4x2x501x64xf32, #tpu.memory_space<vmem>>, vector<1x1x501x64xf32>
    %swap3A_847 = vector.shape_cast %swap3A_846 : vector<1x1x501x64xf32> to vector<501x64xf32>
    %swap3A_848 = vector.shape_cast %slice3A_841 : vector<501x64xf32> to vector<1x1x501x64xf32>
    tpu.vector_store %arg25[%swap3A_842, %swap3A_843, %swap3A_844, %swap3A_845], %swap3A_848 {strides = array<i32>} : memref<4x2x501x64xf32, #tpu.memory_space<vmem>>, vector<1x1x501x64xf32>,
    %get3A_849 = arith.constant 3 : index
    %get3A_850 = arith.constant 0 : index
    %get3A_851 = arith.constant 0 : index
    %get3A_852 = vector.load %arg3[%get3A_849, %get3A_850, %get3A_851] : memref<4x1x64xf32, #tpu.memory_space<vmem>>, vector<1x1x64xf32>
    %get3A_853 = vector.shape_cast %get3A_852 : vector<1x1x64xf32> to vector<1x64xf32>
    %get3A_854 = arith.constant 0 : index
    %get3A_855 = arith.constant 0 : index
    %get3A_856 = vector.load %arg4[%get3A_854, %get3A_855] : memref<128x64xf32, #tpu.memory_space<vmem>>, vector<128x64xf32>
    %dot_general3A_857 = arith.constant dense<0.000000e+00> : vector<1x128xf32>
    %dot_general3A_858 = tpu.matmul %get3A_853, %get3A_856, %dot_general3A_857 {dimension_numbers = #tpu.dot_dimension_numbers<[1], [1], [0], [0], [0, 0, 1, 0], [], []>, transpose_lhs_hint = false} : vector<1x64xf32>, vector<128x64xf32>, vector<1x128xf32> -> vector<1x128xf32>
    %get3A_859 = arith.constant 0 : index
    %get3A_860 = arith.constant 0 : index
    %get3A_861 = vector.load %arg5[%get3A_859, %get3A_860] : memref<1x128xf32, #tpu.memory_space<vmem>>, vector<1x128xf32>
    %add3A_862 = arith.addf %dot_general3A_858, %get3A_861 : vector<1x128xf32>
    %get3A_863 = arith.constant 0 : index
    %get3A_864 = arith.constant 0 : index
    %get3A_865 = vector.load %arg6[%get3A_863, %get3A_864] : memref<128x64xf32, #tpu.memory_space<vmem>>, vector<128x64xf32>
    %dot_general3A_866 = arith.constant dense<0.000000e+00> : vector<1x128xf32>
    %dot_general3A_867 = tpu.matmul %get3A_853, %get3A_865, %dot_general3A_866 {dimension_numbers = #tpu.dot_dimension_numbers<[1], [1], [0], [0], [0, 0, 1, 0], [], []>, transpose_lhs_hint = false} : vector<1x64xf32>, vector<128x64xf32>, vector<1x128xf32> -> vector<1x128xf32>
    %get3A_868 = arith.constant 0 : index
    %get3A_869 = arith.constant 0 : index
    %get3A_870 = vector.load %arg7[%get3A_868, %get3A_869] : memref<1x128xf32, #tpu.memory_space<vmem>>, vector<1x128xf32>
    %add3A_871 = arith.addf %dot_general3A_867, %get3A_870 : vector<1x128xf32>
    %get3A_872 = arith.constant 3 : index
    %get3A_873 = arith.constant 0 : index
    %get3A_874 = arith.constant 0 : index
    %get3A_875 = arith.constant 0 : index
    %get3A_876 = vector.load %arg1[%get3A_872, %get3A_873, %get3A_874, %get3A_875] : memref<4x1x500x128xf32, #tpu.memory_space<vmem>>, vector<1x1x500x128xf32>
    %get3A_877 = vector.shape_cast %get3A_876 : vector<1x1x500x128xf32> to vector<500x128xf32>
    %concatenate3A_878 = tpu.concatenate %get3A_877, %add3A_862, %broadcast_in_dim3A_4 in 0 : vector<500x128xf32>, vector<1x128xf32>, vector<11x128xf32> -> vector<512x128xf32>
    %get3A_879 = arith.constant 3 : index
    %get3A_880 = arith.constant 0 : index
    %get3A_881 = arith.constant 0 : index
    %get3A_882 = arith.constant 0 : index
    %get3A_883 = vector.load %arg2[%get3A_879, %get3A_880, %get3A_881, %get3A_882] : memref<4x1x500x128xf32, #tpu.memory_space<vmem>>, vector<1x1x500x128xf32>
    %get3A_884 = vector.shape_cast %get3A_883 : vector<1x1x500x128xf32> to vector<500x128xf32>
    %concatenate3A_885 = tpu.concatenate %get3A_884, %add3A_871, %broadcast_in_dim3A_4 in 0 : vector<500x128xf32>, vector<1x128xf32>, vector<11x128xf32> -> vector<512x128xf32>
    %get3A_886 = arith.constant 0 : index
    %get3A_887 = arith.constant 0 : index
    %get3A_888 = vector.load %arg9[%get3A_886, %get3A_887] : memref<64x128xf32, #tpu.memory_space<vmem>>, vector<64x128xf32>
    %dot_general3A_889 = arith.constant dense<0.000000e+00> : vector<512x64xf32>
    %dot_general3A_890 = tpu.matmul %concatenate3A_878, %get3A_888, %dot_general3A_889 {dimension_numbers = #tpu.dot_dimension_numbers<[1], [1], [0], [0], [0, 0, 1, 0], [], []>, transpose_lhs_hint = false} : vector<512x128xf32>, vector<64x128xf32>, vector<512x64xf32> -> vector<512x64xf32>
    %get3A_891 = arith.constant 0 : index
    %get3A_892 = arith.constant 0 : index
    %get3A_893 = vector.load %arg10[%get3A_891, %get3A_892] : memref<1x64xf32, #tpu.memory_space<vmem>>, vector<1x64xf32>
    %dot_general3A_894 = arith.constant dense<0.000000e+00> : vector<1x512xf32>
    %dot_general3A_895 = tpu.matmul %get3A_893, %dot_general3A_890, %dot_general3A_894 {dimension_numbers = #tpu.dot_dimension_numbers<[1], [1], [0], [0], [0, 0, 1, 0], [], []>, transpose_lhs_hint = false} : vector<1x64xf32>, vector<512x64xf32>, vector<1x512xf32> -> vector<1x512xf32>
    %mul3A_896 = arith.constant 1.44269502 : f32
    %mul3A_897 = vector.broadcast %mul3A_896 : f32 to vector<1x512xf32>
    %mul3A_898 = arith.mulf %dot_general3A_895, %mul3A_897 : vector<1x512xf32>
    %get3A_899 = arith.constant 0 : index
    %get3A_900 = arith.constant 0 : index
    %get3A_901 = vector.load %arg11[%get3A_899, %get3A_900] : memref<1x64xf32, #tpu.memory_space<vmem>>, vector<1x64xf32>
    %dot_general3A_902 = arith.constant dense<0.000000e+00> : vector<1x512xf32>
    %dot_general3A_903 = tpu.matmul %get3A_901, %dot_general3A_890, %dot_general3A_902 {dimension_numbers = #tpu.dot_dimension_numbers<[1], [1], [0], [0], [0, 0, 1, 0], [], []>, transpose_lhs_hint = false} : vector<1x64xf32>, vector<512x64xf32>, vector<1x512xf32> -> vector<1x512xf32>
    %mul3A_904 = arith.constant 1.44269502 : f32
    %mul3A_905 = vector.broadcast %mul3A_904 : f32 to vector<1x512xf32>
    %mul3A_906 = arith.mulf %dot_general3A_903, %mul3A_905 : vector<1x512xf32>
    %reshape3A_907 = vector.shape_cast %mul3A_906 : vector<1x512xf32> to vector<512x1xf32>
    %add3A_908 = vector.broadcast %mul3A_898 : vector<1x512xf32> to vector<512x512xf32>
    %add3A_909 = vector.broadcast %reshape3A_907 : vector<512x1xf32> to vector<512x512xf32>
    %add3A_910 = arith.addf %add3A_908, %add3A_909 : vector<512x512xf32>
    %gt3A_911 = arith.constant 0.000000e+00 : f32
    %gt3A_912 = vector.broadcast %gt3A_911 : f32 to vector<512x512xf32>
    %gt3A_913 = arith.cmpf ogt, %add3A_910, %gt3A_912 : vector<512x512xf32>
    %mul3A_914 = arith.constant 2.000000e-01 : f32
    %mul3A_915 = vector.broadcast %mul3A_914 : f32 to vector<512x512xf32>
    %mul3A_916 = arith.mulf %mul3A_915, %add3A_910 : vector<512x512xf32>
    %select_n3A_917 = arith.select %gt3A_913, %add3A_910, %mul3A_916 : vector<512x512xi1>, vector<512x512xf32>
    %add3A_918 = arith.addf %select_n3A_917, %get3A_3 : vector<512x512xf32>
    %exp23A_919 = math.exp2 %add3A_918 : vector<512x512xf32>
    %broadcast_in_dim3A_920 = arith.constant 1.000000e+00 : f32
    %broadcast_in_dim3A_921 = vector.broadcast %broadcast_in_dim3A_920 : f32 to vector<512x1xf32>
    %concatenate3A_922 = tpu.concatenate %dot_general3A_890, %broadcast_in_dim3A_921 in 1 : vector<512x64xf32>, vector<512x1xf32> -> vector<512x65xf32>
    %dot_general3A_923 = arith.constant dense<0.000000e+00> : vector<512x65xf32>
    %dot_general3A_924 = tpu.matmul %exp23A_919, %concatenate3A_922, %dot_general3A_923 {dimension_numbers = #tpu.dot_dimension_numbers<[1], [0], [0], [1], [0, 0, 1, 1], [], []>, transpose_lhs_hint = false} : vector<512x512xf32>, vector<512x65xf32>, vector<512x65xf32> -> vector<512x65xf32>
    %slice3A_925 = vector.extract_strided_slice %dot_general3A_924 {offsets = [0, 0], sizes = [512, 64], strides = [1, 1]} : vector<512x65xf32> to vector<512x64xf32>
    %slice3A_926 = vector.extract_strided_slice %dot_general3A_924 {offsets = [0, 64], sizes = [512, 1], strides = [1, 1]} : vector<512x65xf32> to vector<512x1xf32>
    %add3A_927 = arith.constant 1.000000e-16 : f32
    %add3A_928 = vector.broadcast %add3A_927 : f32 to vector<512x1xf32>
    %add3A_929 = arith.addf %slice3A_926, %add3A_928 : vector<512x1xf32>
    %div3A_930 = vector.broadcast %add3A_929 : vector<512x1xf32> to vector<512x64xf32>
    %div3A_931 = arith.divf %slice3A_925, %div3A_930 : vector<512x64xf32>
    %get3A_932 = arith.constant 0 : index
    %get3A_933 = arith.constant 0 : index
    %get3A_934 = vector.load %arg12[%get3A_932, %get3A_933] : memref<1x64xf32, #tpu.memory_space<vmem>>, vector<1x64xf32>
    %add3A_935 = vector.broadcast %get3A_934 : vector<1x64xf32> to vector<512x64xf32>
    %add3A_936 = arith.addf %div3A_931, %add3A_935 : vector<512x64xf32>
    %gt3A_937 = arith.constant 0.000000e+00 : f32
    %gt3A_938 = vector.broadcast %gt3A_937 : f32 to vector<512x64xf32>
    %gt3A_939 = arith.cmpf ogt, %add3A_936, %gt3A_938 : vector<512x64xf32>
    %mul3A_940 = arith.constant 2.000000e-01 : f32
    %mul3A_941 = vector.broadcast %mul3A_940 : f32 to vector<512x64xf32>
    %mul3A_942 = arith.mulf %mul3A_941, %add3A_936 : vector<512x64xf32>
    %select_n3A_943 = arith.select %gt3A_939, %add3A_936, %mul3A_942 : vector<512x64xi1>, vector<512x64xf32>
    %get3A_944 = arith.constant 0 : index
    %get3A_945 = arith.constant 0 : index
    %get3A_946 = vector.load %arg17[%get3A_944, %get3A_945] : memref<64x128xf32, #tpu.memory_space<vmem>>, vector<64x128xf32>
    %dot_general3A_947 = arith.constant dense<0.000000e+00> : vector<512x64xf32>
    %dot_general3A_948 = tpu.matmul %concatenate3A_885, %get3A_946, %dot_general3A_947 {dimension_numbers = #tpu.dot_dimension_numbers<[1], [1], [0], [0], [0, 0, 1, 0], [], []>, transpose_lhs_hint = false} : vector<512x128xf32>, vector<64x128xf32>, vector<512x64xf32> -> vector<512x64xf32>
    %get3A_949 = arith.constant 0 : index
    %get3A_950 = arith.constant 0 : index
    %get3A_951 = vector.load %arg18[%get3A_949, %get3A_950] : memref<1x64xf32, #tpu.memory_space<vmem>>, vector<1x64xf32>
    %dot_general3A_952 = arith.constant dense<0.000000e+00> : vector<1x512xf32>
    %dot_general3A_953 = tpu.matmul %get3A_951, %dot_general3A_948, %dot_general3A_952 {dimension_numbers = #tpu.dot_dimension_numbers<[1], [1], [0], [0], [0, 0, 1, 0], [], []>, transpose_lhs_hint = false} : vector<1x64xf32>, vector<512x64xf32>, vector<1x512xf32> -> vector<1x512xf32>
    %mul3A_954 = arith.constant 1.44269502 : f32
    %mul3A_955 = vector.broadcast %mul3A_954 : f32 to vector<1x512xf32>
    %mul3A_956 = arith.mulf %dot_general3A_953, %mul3A_955 : vector<1x512xf32>
    %get3A_957 = arith.constant 0 : index
    %get3A_958 = arith.constant 0 : index
    %get3A_959 = vector.load %arg19[%get3A_957, %get3A_958] : memref<1x64xf32, #tpu.memory_space<vmem>>, vector<1x64xf32>
    %dot_general3A_960 = arith.constant dense<0.000000e+00> : vector<1x512xf32>
    %dot_general3A_961 = tpu.matmul %get3A_959, %dot_general3A_948, %dot_general3A_960 {dimension_numbers = #tpu.dot_dimension_numbers<[1], [1], [0], [0], [0, 0, 1, 0], [], []>, transpose_lhs_hint = false} : vector<1x64xf32>, vector<512x64xf32>, vector<1x512xf32> -> vector<1x512xf32>
    %mul3A_962 = arith.constant 1.44269502 : f32
    %mul3A_963 = vector.broadcast %mul3A_962 : f32 to vector<1x512xf32>
    %mul3A_964 = arith.mulf %dot_general3A_961, %mul3A_963 : vector<1x512xf32>
    %reshape3A_965 = vector.shape_cast %mul3A_964 : vector<1x512xf32> to vector<512x1xf32>
    %add3A_966 = vector.broadcast %mul3A_956 : vector<1x512xf32> to vector<512x512xf32>
    %add3A_967 = vector.broadcast %reshape3A_965 : vector<512x1xf32> to vector<512x512xf32>
    %add3A_968 = arith.addf %add3A_966, %add3A_967 : vector<512x512xf32>
    %gt3A_969 = arith.constant 0.000000e+00 : f32
    %gt3A_970 = vector.broadcast %gt3A_969 : f32 to vector<512x512xf32>
    %gt3A_971 = arith.cmpf ogt, %add3A_968, %gt3A_970 : vector<512x512xf32>
    %mul3A_972 = arith.constant 2.000000e-01 : f32
    %mul3A_973 = vector.broadcast %mul3A_972 : f32 to vector<512x512xf32>
    %mul3A_974 = arith.mulf %mul3A_973, %add3A_968 : vector<512x512xf32>
    %select_n3A_975 = arith.select %gt3A_971, %add3A_968, %mul3A_974 : vector<512x512xi1>, vector<512x512xf32>
    %add3A_976 = arith.addf %select_n3A_975, %get3A_3 : vector<512x512xf32>
    %exp23A_977 = math.exp2 %add3A_976 : vector<512x512xf32>
    %broadcast_in_dim3A_978 = arith.constant 1.000000e+00 : f32
    %broadcast_in_dim3A_979 = vector.broadcast %broadcast_in_dim3A_978 : f32 to vector<512x1xf32>
    %concatenate3A_980 = tpu.concatenate %dot_general3A_948, %broadcast_in_dim3A_979 in 1 : vector<512x64xf32>, vector<512x1xf32> -> vector<512x65xf32>
    %dot_general3A_981 = arith.constant dense<0.000000e+00> : vector<512x65xf32>
    %dot_general3A_982 = tpu.matmul %exp23A_977, %concatenate3A_980, %dot_general3A_981 {dimension_numbers = #tpu.dot_dimension_numbers<[1], [0], [0], [1], [0, 0, 1, 1], [], []>, transpose_lhs_hint = false} : vector<512x512xf32>, vector<512x65xf32>, vector<512x65xf32> -> vector<512x65xf32>
    %slice3A_983 = vector.extract_strided_slice %dot_general3A_982 {offsets = [0, 0], sizes = [512, 64], strides = [1, 1]} : vector<512x65xf32> to vector<512x64xf32>
    %slice3A_984 = vector.extract_strided_slice %dot_general3A_982 {offsets = [0, 64], sizes = [512, 1], strides = [1, 1]} : vector<512x65xf32> to vector<512x1xf32>
    %add3A_985 = arith.constant 1.000000e-16 : f32
    %add3A_986 = vector.broadcast %add3A_985 : f32 to vector<512x1xf32>
    %add3A_987 = arith.addf %slice3A_984, %add3A_986 : vector<512x1xf32>
    %div3A_988 = vector.broadcast %add3A_987 : vector<512x1xf32> to vector<512x64xf32>
    %div3A_989 = arith.divf %slice3A_983, %div3A_988 : vector<512x64xf32>
    %get3A_990 = arith.constant 0 : index
    %get3A_991 = arith.constant 0 : index
    %get3A_992 = vector.load %arg20[%get3A_990, %get3A_991] : memref<1x64xf32, #tpu.memory_space<vmem>>, vector<1x64xf32>
    %add3A_993 = vector.broadcast %get3A_992 : vector<1x64xf32> to vector<512x64xf32>
    %add3A_994 = arith.addf %div3A_989, %add3A_993 : vector<512x64xf32>
    %gt3A_995 = arith.constant 0.000000e+00 : f32
    %gt3A_996 = vector.broadcast %gt3A_995 : f32 to vector<512x64xf32>
    %gt3A_997 = arith.cmpf ogt, %add3A_994, %gt3A_996 : vector<512x64xf32>
    %mul3A_998 = arith.constant 2.000000e-01 : f32
    %mul3A_999 = vector.broadcast %mul3A_998 : f32 to vector<512x64xf32>
    %mul3A_1000 = arith.mulf %mul3A_999, %add3A_994 : vector<512x64xf32>
    %select_n3A_1001 = arith.select %gt3A_997, %add3A_994, %mul3A_1000 : vector<512x64xi1>, vector<512x64xf32>
    %get3A_1002 = arith.constant 0 : index
    %get3A_1003 = arith.constant 0 : index
    %get3A_1004 = vector.load %arg13[%get3A_1002, %get3A_1003] : memref<64x64xf32, #tpu.memory_space<vmem>>, vector<64x64xf32>
    %dot_general3A_1005 = arith.constant dense<0.000000e+00> : vector<512x64xf32>
    %dot_general3A_1006 = tpu.matmul %select_n3A_943, %get3A_1004, %dot_general3A_1005 {dimension_numbers = #tpu.dot_dimension_numbers<[1], [1], [0], [0], [0, 0, 1, 0], [], []>, transpose_lhs_hint = false} : vector<512x64xf32>, vector<64x64xf32>, vector<512x64xf32> -> vector<512x64xf32>
    %get3A_1007 = arith.constant 0 : index
    %get3A_1008 = arith.constant 0 : index
    %get3A_1009 = vector.load %arg14[%get3A_1007, %get3A_1008] : memref<1x64xf32, #tpu.memory_space<vmem>>, vector<1x64xf32>
    %dot_general3A_1010 = arith.constant dense<0.000000e+00> : vector<1x512xf32>
    %dot_general3A_1011 = tpu.matmul %get3A_1009, %dot_general3A_1006, %dot_general3A_1010 {dimension_numbers = #tpu.dot_dimension_numbers<[1], [1], [0], [0], [0, 0, 1, 0], [], []>, transpose_lhs_hint = false} : vector<1x64xf32>, vector<512x64xf32>, vector<1x512xf32> -> vector<1x512xf32>
    %mul3A_1012 = arith.constant 1.44269502 : f32
    %mul3A_1013 = vector.broadcast %mul3A_1012 : f32 to vector<1x512xf32>
    %mul3A_1014 = arith.mulf %dot_general3A_1011, %mul3A_1013 : vector<1x512xf32>
    %get3A_1015 = arith.constant 0 : index
    %get3A_1016 = arith.constant 0 : index
    %get3A_1017 = vector.load %arg15[%get3A_1015, %get3A_1016] : memref<1x64xf32, #tpu.memory_space<vmem>>, vector<1x64xf32>
    %dot_general3A_1018 = arith.constant dense<0.000000e+00> : vector<1x512xf32>
    %dot_general3A_1019 = tpu.matmul %get3A_1017, %dot_general3A_1006, %dot_general3A_1018 {dimension_numbers = #tpu.dot_dimension_numbers<[1], [1], [0], [0], [0, 0, 1, 0], [], []>, transpose_lhs_hint = false} : vector<1x64xf32>, vector<512x64xf32>, vector<1x512xf32> -> vector<1x512xf32>
    %mul3A_1020 = arith.constant 1.44269502 : f32
    %mul3A_1021 = vector.broadcast %mul3A_1020 : f32 to vector<1x512xf32>
    %mul3A_1022 = arith.mulf %dot_general3A_1019, %mul3A_1021 : vector<1x512xf32>
    %reshape3A_1023 = vector.shape_cast %mul3A_1022 : vector<1x512xf32> to vector<512x1xf32>
    %add3A_1024 = vector.broadcast %mul3A_1014 : vector<1x512xf32> to vector<512x512xf32>
    %add3A_1025 = vector.broadcast %reshape3A_1023 : vector<512x1xf32> to vector<512x512xf32>
    %add3A_1026 = arith.addf %add3A_1024, %add3A_1025 : vector<512x512xf32>
    %gt3A_1027 = arith.constant 0.000000e+00 : f32
    %gt3A_1028 = vector.broadcast %gt3A_1027 : f32 to vector<512x512xf32>
    %gt3A_1029 = arith.cmpf ogt, %add3A_1026, %gt3A_1028 : vector<512x512xf32>
    %mul3A_1030 = arith.constant 2.000000e-01 : f32
    %mul3A_1031 = vector.broadcast %mul3A_1030 : f32 to vector<512x512xf32>
    %mul3A_1032 = arith.mulf %mul3A_1031, %add3A_1026 : vector<512x512xf32>
    %select_n3A_1033 = arith.select %gt3A_1029, %add3A_1026, %mul3A_1032 : vector<512x512xi1>, vector<512x512xf32>
    %add3A_1034 = arith.addf %select_n3A_1033, %get3A_3 : vector<512x512xf32>
    %exp23A_1035 = math.exp2 %add3A_1034 : vector<512x512xf32>
    %broadcast_in_dim3A_1036 = arith.constant 1.000000e+00 : f32
    %broadcast_in_dim3A_1037 = vector.broadcast %broadcast_in_dim3A_1036 : f32 to vector<512x1xf32>
    %concatenate3A_1038 = tpu.concatenate %dot_general3A_1006, %broadcast_in_dim3A_1037 in 1 : vector<512x64xf32>, vector<512x1xf32> -> vector<512x65xf32>
    %dot_general3A_1039 = arith.constant dense<0.000000e+00> : vector<512x65xf32>
    %dot_general3A_1040 = tpu.matmul %exp23A_1035, %concatenate3A_1038, %dot_general3A_1039 {dimension_numbers = #tpu.dot_dimension_numbers<[1], [0], [0], [1], [0, 0, 1, 1], [], []>, transpose_lhs_hint = false} : vector<512x512xf32>, vector<512x65xf32>, vector<512x65xf32> -> vector<512x65xf32>
    %slice3A_1041 = vector.extract_strided_slice %dot_general3A_1040 {offsets = [0, 0], sizes = [512, 64], strides = [1, 1]} : vector<512x65xf32> to vector<512x64xf32>
    %slice3A_1042 = vector.extract_strided_slice %dot_general3A_1040 {offsets = [0, 64], sizes = [512, 1], strides = [1, 1]} : vector<512x65xf32> to vector<512x1xf32>
    %add3A_1043 = arith.constant 1.000000e-16 : f32
    %add3A_1044 = vector.broadcast %add3A_1043 : f32 to vector<512x1xf32>
    %add3A_1045 = arith.addf %slice3A_1042, %add3A_1044 : vector<512x1xf32>
    %div3A_1046 = vector.broadcast %add3A_1045 : vector<512x1xf32> to vector<512x64xf32>
    %div3A_1047 = arith.divf %slice3A_1041, %div3A_1046 : vector<512x64xf32>
    %get3A_1048 = arith.constant 0 : index
    %get3A_1049 = arith.constant 0 : index
    %get3A_1050 = vector.load %arg16[%get3A_1048, %get3A_1049] : memref<1x64xf32, #tpu.memory_space<vmem>>, vector<1x64xf32>
    %add3A_1051 = vector.broadcast %get3A_1050 : vector<1x64xf32> to vector<512x64xf32>
    %add3A_1052 = arith.addf %div3A_1047, %add3A_1051 : vector<512x64xf32>
    %gt3A_1053 = arith.constant 0.000000e+00 : f32
    %gt3A_1054 = vector.broadcast %gt3A_1053 : f32 to vector<512x64xf32>
    %gt3A_1055 = arith.cmpf ogt, %add3A_1052, %gt3A_1054 : vector<512x64xf32>
    %mul3A_1056 = arith.constant 2.000000e-01 : f32
    %mul3A_1057 = vector.broadcast %mul3A_1056 : f32 to vector<512x64xf32>
    %mul3A_1058 = arith.mulf %mul3A_1057, %add3A_1052 : vector<512x64xf32>
    %select_n3A_1059 = arith.select %gt3A_1055, %add3A_1052, %mul3A_1058 : vector<512x64xi1>, vector<512x64xf32>
    %get3A_1060 = arith.constant 0 : index
    %get3A_1061 = arith.constant 0 : index
    %get3A_1062 = vector.load %arg21[%get3A_1060, %get3A_1061] : memref<64x64xf32, #tpu.memory_space<vmem>>, vector<64x64xf32>
    %dot_general3A_1063 = arith.constant dense<0.000000e+00> : vector<512x64xf32>
    %dot_general3A_1064 = tpu.matmul %select_n3A_1001, %get3A_1062, %dot_general3A_1063 {dimension_numbers = #tpu.dot_dimension_numbers<[1], [1], [0], [0], [0, 0, 1, 0], [], []>, transpose_lhs_hint = false} : vector<512x64xf32>, vector<64x64xf32>, vector<512x64xf32> -> vector<512x64xf32>
    %get3A_1065 = arith.constant 0 : index
    %get3A_1066 = arith.constant 0 : index
    %get3A_1067 = vector.load %arg22[%get3A_1065, %get3A_1066] : memref<1x64xf32, #tpu.memory_space<vmem>>, vector<1x64xf32>
    %dot_general3A_1068 = arith.constant dense<0.000000e+00> : vector<1x512xf32>
    %dot_general3A_1069 = tpu.matmul %get3A_1067, %dot_general3A_1064, %dot_general3A_1068 {dimension_numbers = #tpu.dot_dimension_numbers<[1], [1], [0], [0], [0, 0, 1, 0], [], []>, transpose_lhs_hint = false} : vector<1x64xf32>, vector<512x64xf32>, vector<1x512xf32> -> vector<1x512xf32>
    %mul3A_1070 = arith.constant 1.44269502 : f32
    %mul3A_1071 = vector.broadcast %mul3A_1070 : f32 to vector<1x512xf32>
    %mul3A_1072 = arith.mulf %dot_general3A_1069, %mul3A_1071 : vector<1x512xf32>
    %get3A_1073 = arith.constant 0 : index
    %get3A_1074 = arith.constant 0 : index
    %get3A_1075 = vector.load %arg23[%get3A_1073, %get3A_1074] : memref<1x64xf32, #tpu.memory_space<vmem>>, vector<1x64xf32>
    %dot_general3A_1076 = arith.constant dense<0.000000e+00> : vector<1x512xf32>
    %dot_general3A_1077 = tpu.matmul %get3A_1075, %dot_general3A_1064, %dot_general3A_1076 {dimension_numbers = #tpu.dot_dimension_numbers<[1], [1], [0], [0], [0, 0, 1, 0], [], []>, transpose_lhs_hint = false} : vector<1x64xf32>, vector<512x64xf32>, vector<1x512xf32> -> vector<1x512xf32>
    %mul3A_1078 = arith.constant 1.44269502 : f32
    %mul3A_1079 = vector.broadcast %mul3A_1078 : f32 to vector<1x512xf32>
    %mul3A_1080 = arith.mulf %dot_general3A_1077, %mul3A_1079 : vector<1x512xf32>
    %reshape3A_1081 = vector.shape_cast %mul3A_1080 : vector<1x512xf32> to vector<512x1xf32>
    %add3A_1082 = vector.broadcast %mul3A_1072 : vector<1x512xf32> to vector<512x512xf32>
    %add3A_1083 = vector.broadcast %reshape3A_1081 : vector<512x1xf32> to vector<512x512xf32>
    %add3A_1084 = arith.addf %add3A_1082, %add3A_1083 : vector<512x512xf32>
    %gt3A_1085 = arith.constant 0.000000e+00 : f32
    %gt3A_1086 = vector.broadcast %gt3A_1085 : f32 to vector<512x512xf32>
    %gt3A_1087 = arith.cmpf ogt, %add3A_1084, %gt3A_1086 : vector<512x512xf32>
    %mul3A_1088 = arith.constant 2.000000e-01 : f32
    %mul3A_1089 = vector.broadcast %mul3A_1088 : f32 to vector<512x512xf32>
    %mul3A_1090 = arith.mulf %mul3A_1089, %add3A_1084 : vector<512x512xf32>
    %select_n3A_1091 = arith.select %gt3A_1087, %add3A_1084, %mul3A_1090 : vector<512x512xi1>, vector<512x512xf32>
    %add3A_1092 = arith.addf %select_n3A_1091, %get3A_3 : vector<512x512xf32>
    %exp23A_1093 = math.exp2 %add3A_1092 : vector<512x512xf32>
    %broadcast_in_dim3A_1094 = arith.constant 1.000000e+00 : f32
    %broadcast_in_dim3A_1095 = vector.broadcast %broadcast_in_dim3A_1094 : f32 to vector<512x1xf32>
    %concatenate3A_1096 = tpu.concatenate %dot_general3A_1064, %broadcast_in_dim3A_1095 in 1 : vector<512x64xf32>, vector<512x1xf32> -> vector<512x65xf32>
    %dot_general3A_1097 = arith.constant dense<0.000000e+00> : vector<512x65xf32>
    %dot_general3A_1098 = tpu.matmul %exp23A_1093, %concatenate3A_1096, %dot_general3A_1097 {dimension_numbers = #tpu.dot_dimension_numbers<[1], [0], [0], [1], [0, 0, 1, 1], [], []>, transpose_lhs_hint = false} : vector<512x512xf32>, vector<512x65xf32>, vector<512x65xf32> -> vector<512x65xf32>
    %slice3A_1099 = vector.extract_strided_slice %dot_general3A_1098 {offsets = [0, 0], sizes = [512, 64], strides = [1, 1]} : vector<512x65xf32> to vector<512x64xf32>
    %slice3A_1100 = vector.extract_strided_slice %dot_general3A_1098 {offsets = [0, 64], sizes = [512, 1], strides = [1, 1]} : vector<512x65xf32> to vector<512x1xf32>
    %add3A_1101 = arith.constant 1.000000e-16 : f32
    %add3A_1102 = vector.broadcast %add3A_1101 : f32 to vector<512x1xf32>
    %add3A_1103 = arith.addf %slice3A_1100, %add3A_1102 : vector<512x1xf32>
    %div3A_1104 = vector.broadcast %add3A_1103 : vector<512x1xf32> to vector<512x64xf32>
    %div3A_1105 = arith.divf %slice3A_1099, %div3A_1104 : vector<512x64xf32>
    %get3A_1106 = arith.constant 0 : index
    %get3A_1107 = arith.constant 0 : index
    %get3A_1108 = vector.load %arg24[%get3A_1106, %get3A_1107] : memref<1x64xf32, #tpu.memory_space<vmem>>, vector<1x64xf32>
    %add3A_1109 = vector.broadcast %get3A_1108 : vector<1x64xf32> to vector<512x64xf32>
    %add3A_1110 = arith.addf %div3A_1105, %add3A_1109 : vector<512x64xf32>
    %gt3A_1111 = arith.constant 0.000000e+00 : f32
    %gt3A_1112 = vector.broadcast %gt3A_1111 : f32 to vector<512x64xf32>
    %gt3A_1113 = arith.cmpf ogt, %add3A_1110, %gt3A_1112 : vector<512x64xf32>
    %mul3A_1114 = arith.constant 2.000000e-01 : f32
    %mul3A_1115 = vector.broadcast %mul3A_1114 : f32 to vector<512x64xf32>
    %mul3A_1116 = arith.mulf %mul3A_1115, %add3A_1110 : vector<512x64xf32>
    %select_n3A_1117 = arith.select %gt3A_1113, %add3A_1110, %mul3A_1116 : vector<512x64xi1>, vector<512x64xf32>
    %slice3A_1118 = vector.extract_strided_slice %select_n3A_1059 {offsets = [0, 0], sizes = [501, 64], strides = [1, 1]} : vector<512x64xf32> to vector<501x64xf32>
    %swap3A_1119 = arith.constant 3 : index
    %swap3A_1120 = arith.constant 0 : index
    %swap3A_1121 = arith.constant 0 : index
    %swap3A_1122 = arith.constant 0 : index
    %swap3A_1123 = vector.load %arg25[%swap3A_1119, %swap3A_1120, %swap3A_1121, %swap3A_1122] : memref<4x2x501x64xf32, #tpu.memory_space<vmem>>, vector<1x1x501x64xf32>
    %swap3A_1124 = vector.shape_cast %swap3A_1123 : vector<1x1x501x64xf32> to vector<501x64xf32>
    %swap3A_1125 = vector.shape_cast %slice3A_1118 : vector<501x64xf32> to vector<1x1x501x64xf32>
    tpu.vector_store %arg25[%swap3A_1119, %swap3A_1120, %swap3A_1121, %swap3A_1122], %swap3A_1125 {strides = array<i32>} : memref<4x2x501x64xf32, #tpu.memory_space<vmem>>, vector<1x1x501x64xf32>,
    %slice3A_1126 = vector.extract_strided_slice %select_n3A_1117 {offsets = [0, 0], sizes = [501, 64], strides = [1, 1]} : vector<512x64xf32> to vector<501x64xf32>
    %swap3A_1127 = arith.constant 3 : index
    %swap3A_1128 = arith.constant 1 : index
    %swap3A_1129 = arith.constant 0 : index
    %swap3A_1130 = arith.constant 0 : index
    %swap3A_1131 = vector.load %arg25[%swap3A_1127, %swap3A_1128, %swap3A_1129, %swap3A_1130] : memref<4x2x501x64xf32, #tpu.memory_space<vmem>>, vector<1x1x501x64xf32>
    %swap3A_1132 = vector.shape_cast %swap3A_1131 : vector<1x1x501x64xf32> to vector<501x64xf32>
    %swap3A_1133 = vector.shape_cast %slice3A_1126 : vector<501x64xf32> to vector<1x1x501x64xf32>
    tpu.vector_store %arg25[%swap3A_1127, %swap3A_1128, %swap3A_1129, %swap3A_1130], %swap3A_1133 {strides = array<i32>} : memref<4x2x501x64xf32, #tpu.memory_space<vmem>>, vector<1x1x501x64xf32>,
    return
  }
  func.func @transform_0(%arg0: i32) -> (i32, i32, i32, i32) {
    %c0_i32 = arith.constant 0 : i32
    %c0_i32_0 = arith.constant 0 : i32
    %c0_i32_1 = arith.constant 0 : i32
    %c0_i32_2 = arith.constant 0 : i32
    return %arg0, %c0_i32, %c0_i32_0, %c0_i32_1 : i32, i32, i32, i32
  }
  func.func @transform_1(%arg0: i32) -> (i32, i32, i32, i32) {
    %c1_i32 = arith.constant 1 : i32
    %c0_i32 = arith.constant 0 : i32
    %c0_i32_0 = arith.constant 0 : i32
    %c0_i32_1 = arith.constant 0 : i32
    return %arg0, %c1_i32, %c0_i32, %c0_i32_0 : i32, i32, i32, i32
  }
  func.func @transform_2(%arg0: i32) -> (i32, i32, i32) {
    %c0_i32 = arith.constant 0 : i32
    %c0_i32_0 = arith.constant 0 : i32
    %c0_i32_1 = arith.constant 0 : i32
    return %arg0, %c0_i32, %c0_i32_0 : i32, i32, i32
  }
  func.func @transform_3(%arg0: i32) -> (i32, i32) {
    %c0_i32 = arith.constant 0 : i32
    %c0_i32_0 = arith.constant 0 : i32
    %c0_i32_1 = arith.constant 0 : i32
    return %c0_i32, %c0_i32_0 : i32, i32
  }
  func.func @transform_4(%arg0: i32) -> (i32, i32) {
    %c0_i32 = arith.constant 0 : i32
    %c0_i32_0 = arith.constant 0 : i32
    %c0_i32_1 = arith.constant 0 : i32
    return %c0_i32, %c0_i32_0 : i32, i32
  }
  func.func @transform_5(%arg0: i32) -> (i32, i32) {
    %c0_i32 = arith.constant 0 : i32
    %c0_i32_0 = arith.constant 0 : i32
    %c0_i32_1 = arith.constant 0 : i32
    return %c0_i32, %c0_i32_0 : i32, i32
  }
  func.func @transform_6(%arg0: i32) -> (i32, i32) {
    %c0_i32 = arith.constant 0 : i32
    %c0_i32_0 = arith.constant 0 : i32
    %c0_i32_1 = arith.constant 0 : i32
    return %c0_i32, %c0_i32_0 : i32, i32
  }
  func.func @transform_7(%arg0: i32) -> (i32, i32) {
    %c0_i32 = arith.constant 0 : i32
    %c0_i32_0 = arith.constant 0 : i32
    %c0_i32_1 = arith.constant 0 : i32
    return %c0_i32, %c0_i32_0 : i32, i32
  }
  func.func @transform_8(%arg0: i32) -> (i32, i32) {
    %c0_i32 = arith.constant 0 : i32
    %c0_i32_0 = arith.constant 0 : i32
    %c0_i32_1 = arith.constant 0 : i32
    return %c0_i32, %c0_i32_0 : i32, i32
  }
  func.func @transform_9(%arg0: i32) -> (i32, i32) {
    %c0_i32 = arith.constant 0 : i32
    %c0_i32_0 = arith.constant 0 : i32
    %c0_i32_1 = arith.constant 0 : i32
    return %c0_i32, %c0_i32_0 : i32, i32
  }
  func.func @transform_10(%arg0: i32) -> (i32, i32) {
    %c0_i32 = arith.constant 0 : i32
    %c0_i32_0 = arith.constant 0 : i32
    %c0_i32_1 = arith.constant 0 : i32
    return %c0_i32, %c0_i32_0 : i32, i32
  }
  func.func @transform_11(%arg0: i32) -> (i32, i32) {
    %c0_i32 = arith.constant 0 : i32
    %c0_i32_0 = arith.constant 0 : i32
    %c0_i32_1 = arith.constant 0 : i32
    return %c0_i32, %c0_i32_0 : i32, i32
  }
  func.func @transform_12(%arg0: i32) -> (i32, i32) {
    %c0_i32 = arith.constant 0 : i32
    %c0_i32_0 = arith.constant 0 : i32
    %c0_i32_1 = arith.constant 0 : i32
    return %c0_i32, %c0_i32_0 : i32, i32
  }
  func.func @transform_13(%arg0: i32) -> (i32, i32) {
    %c0_i32 = arith.constant 0 : i32
    %c0_i32_0 = arith.constant 0 : i32
    %c0_i32_1 = arith.constant 0 : i32
    return %c0_i32, %c0_i32_0 : i32, i32
  }
  func.func @transform_14(%arg0: i32) -> (i32, i32) {
    %c0_i32 = arith.constant 0 : i32
    %c0_i32_0 = arith.constant 0 : i32
    %c0_i32_1 = arith.constant 0 : i32
    return %c0_i32, %c0_i32_0 : i32, i32
  }
  func.func @transform_15(%arg0: i32) -> (i32, i32) {
    %c0_i32 = arith.constant 0 : i32
    %c0_i32_0 = arith.constant 0 : i32
    %c0_i32_1 = arith.constant 0 : i32
    return %c0_i32, %c0_i32_0 : i32, i32
  }
  func.func @transform_16(%arg0: i32) -> (i32, i32) {
    %c0_i32 = arith.constant 0 : i32
    %c0_i32_0 = arith.constant 0 : i32
    %c0_i32_1 = arith.constant 0 : i32
    return %c0_i32, %c0_i32_0 : i32, i32
  }
  func.func @transform_17(%arg0: i32) -> (i32, i32) {
    %c0_i32 = arith.constant 0 : i32
    %c0_i32_0 = arith.constant 0 : i32
    %c0_i32_1 = arith.constant 0 : i32
    return %c0_i32, %c0_i32_0 : i32, i32
  }
  func.func @transform_18(%arg0: i32) -> (i32, i32) {
    %c0_i32 = arith.constant 0 : i32
    %c0_i32_0 = arith.constant 0 : i32
    %c0_i32_1 = arith.constant 0 : i32
    return %c0_i32, %c0_i32_0 : i32, i32
  }
  func.func @transform_19(%arg0: i32) -> (i32, i32) {
    %c0_i32 = arith.constant 0 : i32
    %c0_i32_0 = arith.constant 0 : i32
    %c0_i32_1 = arith.constant 0 : i32
    return %c0_i32, %c0_i32_0 : i32, i32
  }
  func.func @transform_20(%arg0: i32) -> (i32, i32) {
    %c0_i32 = arith.constant 0 : i32
    %c0_i32_0 = arith.constant 0 : i32
    %c0_i32_1 = arith.constant 0 : i32
    return %c0_i32, %c0_i32_0 : i32, i32
  }
  func.func @transform_21(%arg0: i32) -> (i32, i32) {
    %c0_i32 = arith.constant 0 : i32
    %c0_i32_0 = arith.constant 0 : i32
    %c0_i32_1 = arith.constant 0 : i32
    return %c0_i32, %c0_i32_0 : i32, i32
  }
  func.func @transform_22(%arg0: i32) -> (i32, i32) {
    %c0_i32 = arith.constant 0 : i32
    %c0_i32_0 = arith.constant 0 : i32
    %c0_i32_1 = arith.constant 0 : i32
    return %c0_i32, %c0_i32_0 : i32, i32
  }
  func.func @transform_23(%arg0: i32) -> (i32, i32) {
    %c0_i32 = arith.constant 0 : i32
    %c0_i32_0 = arith.constant 0 : i32
    %c0_i32_1 = arith.constant 0 : i32
    return %c0_i32, %c0_i32_0 : i32, i32
  }
  func.func @transform_24(%arg0: i32) -> (i32, i32, i32, i32) {
    %c0_i32 = arith.constant 0 : i32
    %c0_i32_0 = arith.constant 0 : i32
    %c0_i32_1 = arith.constant 0 : i32
    %c0_i32_2 = arith.constant 0 : i32
    return %arg0, %c0_i32, %c0_i32_0, %c0_i32_1 : i32, i32, i32, i32
  }
}

module attributes {stable_mosaic.version = 14 : i64} {
  func.func @_fc_body(%arg0: i32, %arg1: memref<64x21376xf32, #tpu.memory_space<vmem>>, %arg2: memref<100x21376xf32, #tpu.memory_space<vmem>>, %arg3: memref<1x100xf32, #tpu.memory_space<vmem>>, %arg4: memref<100x1xf32, #tpu.memory_space<vmem>>, %arg5: memref<1x1xf32, #tpu.memory_space<vmem>>, %arg6: memref<64x1xf32, #tpu.memory_space<vmem>>, %arg7: memref<64x100xf32, #tpu.memory_space<vmem>>) attributes {dimension_semantics = [#tpu.dimension_semantics<arbitrary>], iteration_bounds = array<i64: 3>, scalar_prefetch = 0 : i64, scratch_operands = 1 : i64, tpu.core_type = #tpu.core_type<tc>, window_params = [{transform_indices = @transform_0, window_bounds = array<i64: 64, 21376>}, {transform_indices = @transform_1, window_bounds = array<i64: 100, 21376>}, {pipeline_mode = #tpu.pipeline_mode<synchronous>, transform_indices = @transform_2, window_bounds = array<i64: 1, 100>}, {pipeline_mode = #tpu.pipeline_mode<synchronous>, transform_indices = @transform_3, window_bounds = array<i64: 100, 1>}, {pipeline_mode = #tpu.pipeline_mode<synchronous>, transform_indices = @transform_4, window_bounds = array<i64: 1, 1>}, {pipeline_mode = #tpu.pipeline_mode<synchronous>, transform_indices = @transform_5, window_bounds = array<i64: 64, 1>}]} {
    %eq3A = arith.constant 0 : i32
    %eq3A_0 = arith.cmpi eq, %arg0, %eq3A : i32
    %convert_element_type3A = arith.extui %eq3A_0 : i1 to i32
    %cond3A = arith.constant 0 : i32
    %cond3A_1 = arith.cmpi ne, %convert_element_type3A, %cond3A : i32
    scf.if %cond3A_1 {
      %broadcast_in_dim3A = arith.constant 0.000000e+00 : f32
      %broadcast_in_dim3A_18 = vector.broadcast %broadcast_in_dim3A : f32 to vector<64x100xf32>
      %swap3A_19 = arith.constant 0 : index
      %swap3A_20 = arith.constant 0 : index
      %swap3A_21 = vector.load %arg7[%swap3A_19, %swap3A_20] : memref<64x100xf32, #tpu.memory_space<vmem>>, vector<64x100xf32>
      tpu.vector_store %arg7[%swap3A_19, %swap3A_20], %broadcast_in_dim3A_18 {strides = array<i32>} : memref<64x100xf32, #tpu.memory_space<vmem>>, vector<64x100xf32>,
    } else {
    }
    %get3A = arith.constant 0 : index
    %get3A_2 = arith.constant 0 : index
    %get3A_3 = vector.load %arg7[%get3A, %get3A_2] : memref<64x100xf32, #tpu.memory_space<vmem>>, vector<64x100xf32>
    %get3A_4 = arith.constant 0 : index
    %get3A_5 = arith.constant 0 : index
    %get3A_6 = vector.load %arg1[%get3A_4, %get3A_5] : memref<64x21376xf32, #tpu.memory_space<vmem>>, vector<64x21376xf32>
    %get3A_7 = arith.constant 0 : index
    %get3A_8 = arith.constant 0 : index
    %get3A_9 = vector.load %arg2[%get3A_7, %get3A_8] : memref<100x21376xf32, #tpu.memory_space<vmem>>, vector<100x21376xf32>
    %dot_general3A = arith.constant dense<0.000000e+00> : vector<64x100xf32>
    %dot_general3A_10 = tpu.matmul %get3A_6, %get3A_9, %dot_general3A {dimension_numbers = #tpu.dot_dimension_numbers<[1], [1], [0], [0], [0, 0, 1, 0], [], []>, transpose_lhs_hint = false} : vector<64x21376xf32>, vector<100x21376xf32>, vector<64x100xf32> -> vector<64x100xf32>
    %add3A = arith.addf %get3A_3, %dot_general3A_10 : vector<64x100xf32>
    %swap3A = arith.constant 0 : index
    %swap3A_11 = arith.constant 0 : index
    %swap3A_12 = vector.load %arg7[%swap3A, %swap3A_11] : memref<64x100xf32, #tpu.memory_space<vmem>>, vector<64x100xf32>
    tpu.vector_store %arg7[%swap3A, %swap3A_11], %add3A {strides = array<i32>} : memref<64x100xf32, #tpu.memory_space<vmem>>, vector<64x100xf32>,
    %eq3A_13 = arith.constant 2 : i32
    %eq3A_14 = arith.cmpi eq, %arg0, %eq3A_13 : i32
    %convert_element_type3A_15 = arith.extui %eq3A_14 : i1 to i32
    %cond3A_16 = arith.constant 0 : i32
    %cond3A_17 = arith.cmpi ne, %convert_element_type3A_15, %cond3A_16 : i32
    scf.if %cond3A_17 {
      %get3A_18 = arith.constant 0 : index
      %get3A_19 = arith.constant 0 : index
      %get3A_20 = vector.load %arg7[%get3A_18, %get3A_19] : memref<64x100xf32, #tpu.memory_space<vmem>>, vector<64x100xf32>
      %get3A_21 = arith.constant 0 : index
      %get3A_22 = arith.constant 0 : index
      %get3A_23 = vector.load %arg3[%get3A_21, %get3A_22] : memref<1x100xf32, #tpu.memory_space<vmem>>, vector<1x100xf32>
      %add3A_24 = vector.broadcast %get3A_23 : vector<1x100xf32> to vector<64x100xf32>
      %add3A_25 = arith.addf %get3A_20, %add3A_24 : vector<64x100xf32>
      %gt3A = arith.constant 0.000000e+00 : f32
      %gt3A_26 = vector.broadcast %gt3A : f32 to vector<64x100xf32>
      %gt3A_27 = arith.cmpf ogt, %add3A_25, %gt3A_26 : vector<64x100xf32>
      %mul3A = arith.constant 2.000000e-01 : f32
      %mul3A_28 = vector.broadcast %mul3A : f32 to vector<64x100xf32>
      %mul3A_29 = arith.mulf %mul3A_28, %add3A_25 : vector<64x100xf32>
      %select_n3A = arith.select %gt3A_27, %add3A_25, %mul3A_29 : vector<64x100xi1>, vector<64x100xf32>
      %get3A_30 = arith.constant 0 : index
      %get3A_31 = arith.constant 0 : index
      %get3A_32 = vector.load %arg4[%get3A_30, %get3A_31] : memref<100x1xf32, #tpu.memory_space<vmem>>, vector<100x1xf32>
      %dot_general3A_33 = arith.constant dense<0.000000e+00> : vector<64x1xf32>
      %dot_general3A_34 = tpu.matmul %select_n3A, %get3A_32, %dot_general3A_33 {dimension_numbers = #tpu.dot_dimension_numbers<[1], [0], [0], [1], [0, 0, 1, 1], [], []>, transpose_lhs_hint = false} : vector<64x100xf32>, vector<100x1xf32>, vector<64x1xf32> -> vector<64x1xf32>
      %get3A_35 = arith.constant 0 : index
      %get3A_36 = arith.constant 0 : index
      %get3A_37 = vector.load %arg5[%get3A_35, %get3A_36] : memref<1x1xf32, #tpu.memory_space<vmem>>, vector<1x1xf32>
      %add3A_38 = vector.broadcast %get3A_37 : vector<1x1xf32> to vector<64x1xf32>
      %add3A_39 = arith.addf %dot_general3A_34, %add3A_38 : vector<64x1xf32>
      %swap3A_40 = arith.constant 0 : index
      %swap3A_41 = arith.constant 0 : index
      %swap3A_42 = vector.load %arg6[%swap3A_40, %swap3A_41] : memref<64x1xf32, #tpu.memory_space<vmem>>, vector<64x1xf32>
      tpu.vector_store %arg6[%swap3A_40, %swap3A_41], %add3A_39 {strides = array<i32>} : memref<64x1xf32, #tpu.memory_space<vmem>>, vector<64x1xf32>,
    } else {
    }
    return
  }
  func.func @transform_0(%arg0: i32) -> (i32, i32) {
    %c0_i32 = arith.constant 0 : i32
    %c0_i32_0 = arith.constant 0 : i32
    return %c0_i32, %arg0 : i32, i32
  }
  func.func @transform_1(%arg0: i32) -> (i32, i32) {
    %c0_i32 = arith.constant 0 : i32
    %c0_i32_0 = arith.constant 0 : i32
    return %c0_i32, %arg0 : i32, i32
  }
  func.func @transform_2(%arg0: i32) -> (i32, i32) {
    %c0_i32 = arith.constant 0 : i32
    %c0_i32_0 = arith.constant 0 : i32
    %c0_i32_1 = arith.constant 0 : i32
    return %c0_i32, %c0_i32_0 : i32, i32
  }
  func.func @transform_3(%arg0: i32) -> (i32, i32) {
    %c0_i32 = arith.constant 0 : i32
    %c0_i32_0 = arith.constant 0 : i32
    %c0_i32_1 = arith.constant 0 : i32
    return %c0_i32, %c0_i32_0 : i32, i32
  }
  func.func @transform_4(%arg0: i32) -> (i32, i32) {
    %c0_i32 = arith.constant 0 : i32
    %c0_i32_0 = arith.constant 0 : i32
    %c0_i32_1 = arith.constant 0 : i32
    return %c0_i32, %c0_i32_0 : i32, i32
  }
  func.func @transform_5(%arg0: i32) -> (i32, i32) {
    %c0_i32 = arith.constant 0 : i32
    %c0_i32_0 = arith.constant 0 : i32
    %c0_i32_1 = arith.constant 0 : i32
    return %c0_i32, %c0_i32_0 : i32, i32
  }
}

</mosaic_0001>

<sc_bundles>
// kernel: kernel.5.cloned.1.call-start
scs
__scs_entry_jumppad:
0x0: {  	(pc) =	sbr.rel $0x88, $3  }
0x1: {  	(tag) =	ssettag $0x0;
	lr =	simm.s32 $0x1  }
0x2: {  	[smem:$0x3F86] =	sst lr;
	_ =	strace $0xD0000000  }
0x3: {  	_ = 	snop  }
0x4: {  	_ = 	snop  }
0x5: {  	_ = 	snop  }
0x6: {  	_ = 	snop  }
0x7: {  	_ = 	snop  }
__scs_overlays_trampoline_lowered:
0x8: {  	[smem:$0x3F95] =	sst s0  }
0x9: {  	[smem:$0x3F96] =	sst s1  }
0xa: {  	[smem:$0x3F97] =	sst s2  }
0xb: {  	[smem:$0x3F98] =	sst s3  }
0xc: {  	[smem:$0x3F99] =	sst s4  }
0xd: {  	[smem:$0x3F9A] =	sst s5  }
0xe: {  	[smem:$0x3F9B] =	sst s6  }
0xf: {  	[smem:$0x3F9C] =	sst s7  }
0x10: {  	[smem:$0x3F9D] =	sst s8  }
0x11: {  	[smem:$0x3F9E] =	sst s9;
	s0 =	simm.s32 @!p0 $0x0  }
0x12: {  	s1 =	sld [smem:$0x3F84];
	s0 =	simm.s32 @p0 $0x1  }
0x13: {  	[smem:$0x3F9F] =	sst s0;
	s0 =	simm.s32 @!p1 $0x0  }
0x14: {  	s2 =	sld [smem:$0x3F83];
	s0 =	simm.s32 @p1 $0x1  }
0x15: {  	[smem:$0x3FA0] =	sst s0;
	s0 =	simm.s32 @!p2 $0x0  }
0x16: {  	s3 =	sld [smem:$0x3FDB];
	s0 =	simm.s32 @p2 $0x1  }
0x17: {  	s4 =	simm.s32 $0x1BF5;
	[smem:$0x3FA2] =	sst s0  }
0x18: {  	s0 =	sld [smem:$0x3F85];
	_ =	swait.ge [sflag:s4], $0x0  }
0x19: {  	s7 =	sld [smem:$0x3F86]  }
0x1a: {  	s8 =	sadd.s32 $0xFFFFE003, lr  }
0x1b: {  	s9 =	sadd.s32 $0xFFFFFEF7, lr;
	s5 =	simm.s32 $0xFFFFFFFF;
	p2 =	slt.u32 s8, $0xFFFFF086  }
0x1c: {  	p1 =	slt.u32 s9, $0xF7A;
	s5 =	simm.s32 @!p2 $0x0  }
0x1d: {  	s5 =	simm.s32 @p1 $0x1;
	p0 =	seq.s32 s7, s2  }
0x1e: {  	s7 =	smul.u32 @!p0 $0xF7A, s2;
	p2 =	seq.s32 @!p0 s5, $0x0  }
0x1f: {  	s9 =	smul.u32 $0xF7A, s1;
	s8 =	simm.s32 @!p0 $0x1BF5;
	p2 =	por !p2, p0  }
0x20: {  	[sflag:s8] =	ssyncset.s32 @!p0 $0xFFFFF086;
	s6 =	sadd.s32 @!p0 s3, s7;
	s7 =	simm.s32 @!p0 $0x108  }
0x21: {  	s3 =	sadd.s32 s3, s9;
	s6 =	sadd.s32 @!p0 $0x88, s6;
	s7 =	simm.s32 @p2 $0x1082  }
0x22: {  	[simem:s7], [sflag:s8] =	dma.local @!p0 [hbm:s6], $0xF7A  }
0x23: {  	s9 =	sor.u32 $0xD0000000, s2;
	s6 =	simm.s32 $0x108;
	_ =	swait.ge @!p0 [sflag:s8], $0x0  }
0x24: {  	s3 =	sadd.s32 $0x88, s3;
	s6 =	simm.s32 @!p1 $0x1082;
	[sflag:s4] =	ssyncset.s32 $0xFFFFF086  }
0x25: {  	[simem:s6], [sflag:s4] =	dma.local [hbm:s3], $0xF7A  }
0x26: {  	[smem:$0x3F86] =	sst s1;
	(tag) =	ssettag s2;
	_ =	strace s9  }
0x27: {  	s1 =	sld [smem:$0x3F96]  }
0x28: {  	s2 =	sld [smem:$0x3F97]  }
0x29: {  	s4 =	sld [smem:$0x3F99]  }
0x2a: {  	p0 =	seq.s32 s5, $0x0;
	s5 =	sld [smem:$0x3F9A]  }
0x2b: {  	s6 =	sld [smem:$0x3F9B]  }
0x2c: {  	s7 =	sld [smem:$0x3F9C]  }
0x2d: {  	s3 =	simm.s32 $0x108;
	s8 =	sld [smem:$0x3F9D]  }
0x2e: {  	s3 =	simm.s32 @!p0 $0x1082;
	s9 =	sld [smem:$0x3F9E]  }
0x2f: {  	lr =	sadd.s32 s0, s3;
	s0 =	sld [smem:$0x3F95]  }
0x30: {  	s3 =	sld [smem:$0x3F98]  }
0x31: {  	[smem:$0x3FA1] =	sst s10  }
0x32: {  	s10 =	sld [smem:$0x3F9F];
	_ =	sdelay $0x3  }
0x33: {  	p0 =	seq.s32 s10, $0x1;
	s10 =	sld [smem:$0x3FA1];
	_ =	sdelay $0x3  }
0x34: {  	[smem:$0x3FA1] =	sst s10  }
0x35: {  	s10 =	sld [smem:$0x3FA0];
	_ =	sdelay $0x3  }
0x36: {  	p1 =	seq.s32 s10, $0x1;
	s10 =	sld [smem:$0x3FA1];
	_ =	sdelay $0x3  }
0x37: {  	[smem:$0x3FA1] =	sst s10  }
0x38: {  	s10 =	sld [smem:$0x3FA2]  }
0x39: {  	_ = 	snop;
	(pc) =	sbr.ind lr, $3  }
0x3a: {  	_ = 	snop  }
0x3b: {  	_ = 	snop  }
0x3c: {  	p2 =	seq.s32 s10, $0x1;
	s10 =	sld [smem:$0x3FA1]  }
0x3d: {  	_ =	shalt  }
0x3e: {  	_ =	shalt  }
0x3f: {  	_ =	shalt  }
0x40: {  	_ =	shalt  }
0x41: {  	_ =	shalt  }
0x42: {  	_ =	shalt  }
0x43: {  	_ =	shalt  }
0x44: {  	_ =	shalt  }
0x45: {  	_ =	shalt  }
0x46: {  	_ =	shalt  }
0x47: {  	_ =	shalt  }
0x48: {  	_ =	shalt  }
0x49: {  	_ =	shalt  }
0x4a: {  	_ =	shalt  }
0x4b: {  	_ =	shalt  }
0x4c: {  	_ =	shalt  }
0x4d: {  	_ =	shalt  }
0x4e: {  	_ =	shalt  }
0x4f: {  	_ =	shalt  }
0x50: {  	_ =	shalt  }
0x51: {  	_ =	shalt  }
0x52: {  	_ =	shalt  }
0x53: {  	_ =	shalt  }
0x54: {  	_ =	shalt  }
0x55: {  	_ =	shalt  }
0x56: {  	_ =	shalt  }
0x57: {  	_ =	shalt  }
0x58: {  	_ =	shalt  }
0x59: {  	_ =	shalt  }
0x5a: {  	_ =	shalt  }
0x5b: {  	_ =	shalt  }
0x5c: {  	_ =	shalt  }
0x5d: {  	_ =	shalt  }
0x5e: {  	_ =	shalt  }
0x5f: {  	_ =	shalt  }
0x60: {  	_ =	shalt  }
0x61: {  	_ =	shalt  }
0x62: {  	_ =	shalt  }
0x63: {  	_ =	shalt  }
0x64: {  	_ =	shalt  }
0x65: {  	_ =	shalt  }
0x66: {  	_ =	shalt  }
0x67: {  	_ =	shalt  }
0x68: {  	_ =	shalt  }
0x69: {  	_ =	shalt  }
0x6a: {  	_ =	shalt  }
0x6b: {  	_ =	shalt  }
0x6c: {  	_ =	shalt  }
0x6d: {  	_ =	shalt  }
0x6e: {  	_ =	shalt  }
0x6f: {  	_ =	shalt  }
0x70: {  	_ =	shalt  }
0x71: {  	_ =	shalt  }
0x72: {  	_ =	shalt  }
0x73: {  	_ =	shalt  }
0x74: {  	_ =	shalt  }
0x75: {  	_ =	shalt  }
0x76: {  	_ =	shalt  }
0x77: {  	_ =	shalt  }
0x78: {  	_ =	shalt  }
0x79: {  	_ =	shalt  }
0x7a: {  	_ =	shalt  }
0x7b: {  	_ =	shalt  }
0x7c: {  	_ =	shalt  }
0x7d: {  	_ =	shalt  }
0x7e: {  	_ =	shalt  }
0x7f: {  	_ =	shalt  }
0x80: {  	_ =	shalt  }
0x81: {  	_ =	shalt  }
0x82: {  	_ =	shalt  }
0x83: {  	_ =	shalt  }
0x84: {  	_ =	shalt  }
0x85: {  	_ =	shalt  }
0x86: {  	_ =	shalt  }
0x87: {  	_ =	shalt  }
.Lfunc_end0:
.L_simem_size_0:
called_computation_lowered:
.L_overlay_start_0:
0x88: {  	s2 =	sld [smem:$0x3FD9]  }
0x89: {  	s3 =	sld [smem:$0x3FFE];
	_ =	sdelay $0x1  }
0x8a: {  	s1 =	srdreg.scid  }
0x8b: {  	s0 =	sand.u32 $0x1, s1  }
0x8c: {  	s16 =	sshll.u32 s0, $0xA;
	s2 =	sadd.s32 s3, s2  }
0x8d: {  	s2 =	sadd.s32 s2, s16  }
0x8e: {  	[smem:$0x3FAD] =	sst s2  }
0x8f: {  	_ = 	snop  }
0x90: {  	(tm) =	ssettm $0x1  }
0x91: {  	s17 =	sld [smem:$0x3FFB];
	_ =	sdelay $0x3  }
0x92: {  	_ =	strace s17  }
0x93: {  	s2 =	sld [smem:$0x3FFC];
	_ =	sdelay $0x3  }
0x94: {  	_ =	strace s2  }
0x95: {  	s2 =	sld [smem:$0x3FFD];
	_ =	sdelay $0x3  }
0x96: {  	_ =	strace s2  }
0x97: {  	_ =	strace $0x8FFFFFFF  }
0x98: {  	s18 =	sld [smem:$0x3FDB];
	_ =	sdelay $0x1  }
0x99: {  	s19 =	simm.s32 $_scs_section_size  }
0x9a: {  	s4 =	simm.s32 $_size__tile_overlayer_lowered;
	s5 =	simm.s32 $_tile_overlayer_lowered  }
0x9b: {  	s22 =	simm.s32 $0x1BFF;
	s21 =	sshll.u32 s5, $0x1;
	s2 =	sadd.s32 s19, s18  }
0x9c: {  	s6 =	simm.s32 $0x0;
	s20 =	sshll.u32 s4, $0x1;
	s4 =	sadd.s32 s21, s2  }
0x9d: {  	[timem:s6], [sflag:s22] =	dma.local [hbm:s4], s20  }
0x9e: {  	_ =	swait.ge [sflag:s22], s20  }
0x9f: {  	s3 =	ssub.s32 $0x0, s20;
	[sflag:s22] =	ssyncset.done $0x0  }
0xa0: {  	[sflag:s22] =	ssyncadd.s32 s3;
	_ =	sdelay $0x1  }
0xa1: {  	s23 =	simm.s32 $0x1B8B  }
0xa2: {  	_ =	swait.ge [sflag:s23], $0x1  }
0xa3: {  	[sflag:s23] =	ssyncset.done $0x0  }
0xa4: {  	s25 =	simm.s32 $0x1B8E;
	s24 =	sld [smem:$0x3FFE];
	[sflag:s23] =	ssyncadd.s32 $0xFFFFFFFF  }
0xa5: {  	s26 =	simm.s32 $execute0_lowered;
	[smem:$0x3FD2] =	sst s25  }
0xa6: {  	s4 =	sshll.u32 s26, $0x1;
	_ =	strace $0x80000046;
	[dreg:$0x1] =	wrdreg $0xFFFFFFFF  }
0xa7: {  	s28 =	simm.s32 $_size_execute0_lowered;
	s2 =	sadd.s32 s2, s4;
	[dreg:$0x0] =	wrdreg $0x0  }
0xa8: {  	s4 =	sshll.u32 s28, $0x1;
	[dreg:$0x2] =	wrdreg s2  }
0xa9: {  	[dreg:$0x3] =	wrdreg s4  }
0xaa: {  	[dreg:$0x4] =	wrdreg $0xC0  }
0xab: {  	_ =	task [dreg:s6], $0x5FFFF  }
0xac: {  	[dreg:$0x1] =	wrdreg $0xFFFFFFFF  }
0xad: {  	[dreg:$0x0] =	wrdreg $0x60  }
0xae: {  	[dreg:$0x2] =	wrdreg s24  }
0xaf: {  	[dreg:$0x3] =	wrdreg $0x9  }
0xb0: {  	_ =	task.clear_ibuf [dreg:s6], $0x4FFFF;
	_ =	strace $0x90000046  }
0xb1: {  	s29 =	simm.s32 $0x9;
	_ =	strace $0x80000048  }
0xb2: {  	_ =	swait.ge [sflag:s29], $0x1  }
0xb3: {  	[sflag:s29] =	ssyncadd.s32 $0xFFFFFFFF  }
0xb4: {  	_ =	strace $0x90000048  }
0xb5: {  	_ =	sfence  }
0xb6: {  	s30 =	sld [smem:$0x0];
	_ =	sdelay $0x2  }
0xb7: {  	s31 =	sshll.u32 s1, $0xD;
	s1 =	sshrl.u32 s1, $0x2  }
0xb8: {  	s3 =	sand.u32 $0x4000, s31;
	s1 =	sadd.s32 s1, s30  }
0xb9: {  	s0 =	sor.u32 s3, s0;
	s1 =	sshll.u32 s1, $0x11  }
0xba: {  	s0 =	sor.u32 s1, s0  }
0xbb: {  	s0 =	sadd.s32 $0x8F2B, s0  }
0xbc: {  	[sflag:s0] =	ssyncadd.remote.s32 $0x1  }
0xbd: {  	_ =	sfence.sel $0xFFFF  }
0xbe: {  	[dreg:$0x0] =	wrdreg $0xFFFFFFFF;
	(pc) =	sbr.abs _section_cstart, $3  }
0xbf: {  	[dreg:$0x1] =	wrdreg $0xFFFFFFFF  }
0xc0: {  	_ =	task.clear_ibuf [dreg:s6], $0x2FFFF;
	_ =	strace $0x9FFFFFFF  }
0xc1: {  	(tm) =	ssettm $0x7FFFFFFF  }
tec
execute0_lowered:
.L_overlay_start_1:
0x0: {  	(tag) =	ssettag $0x1  }
0x1: {  	s7 =	rddreg [dreg:$0x0]  }
0x2: {  	s0 =	rddreg [dreg:$0x1];
	s1 =	simm.s32 $0x0  }
0x3: {  	s5 =	srdreg.scid;
	s2 =	stileid.u32;
	s12 =	simm.s32 $0x2700  }
0x4: {  	s13 =	simm.s32 $0x0;
	[smem:$0x7FF] =	sst s1;
	s3 =	sadd.s32 $0x2A00, s7  }
0x5: {  	s4 =	sadd.s32 $0x2E00, s7;
	s6 =	sand.u32 $0x1, s5;
	s8 =	sshll.u32 s2, $0x1  }
.Ltmp0:
0x6: {  	s5 =	sadd.s32 $0x3200, s7;
	s8 =	sor.u32 s6, s8;
	(pc) =	sbr.rel .LBB2_1-.Ltmp0, $4  }
0x7: {  	_ =	strace $0x80000047;
	s9 =	ssub.s32 $0x2, s6;
	s10 =	sshll.u32 s8, $0xA  }
0x8: {  	s11 =	sshrl.u32 s9, $0x1;
	s6 =	sshll.u32 s8, $0x4;
	s31 =	sadd.s32 s10, s7  }
0x9: {  	s9 =	ssub.s32 s9, s11;
	s7 =	sadd.s32 $0x10, s6;
	s10 =	simm.s32 $0x1  }
0xa: {  	v2 =	vimm.f32 $1.000000000e+00;
	v0 =	vmov s6;
	s11 =	simm.s32 $0x1380;
	s8 =	sadd.s32 $0x3600, s31;
	s9 =	smax.u32 s9, $0x1;
	v1 =	vmov s7  }
.LBB2_8:
0xb: {  	s13 =	sadd.s32 $0x1, s13  }
0xc: {  	p0 =	sne.s32 s13, s9  }
.Ltmp1:
0xd: {  	_ = 	snop;
	(pc) =	sbr.rel @!p0 .LBB2_9-.Ltmp1, $4  }
0xe: {  	[hbm4b:s8+s1] =	stream.linear.scatter [tilespmem:s12], [sflag:$0x1], $0x2000, $0x38;
	[tilespmem:$0x4780] =	vst v63  }
0xf: {  	_ =	swait.ge [sflag:s10], $0x2000  }
0x10: {  	[sflag:s10] =	ssyncset.done $0x0  }
0x11: {  	[sflag:s10] =	ssyncadd.s32 $0xFFFFE000  }
.LBB2_1:
0x12: {  	[tilespmem:s1], [sflag:$0x1] =	stream.linear.gather [hbm4b:s3+s1], $0x1340, $0x38;
	[tilespmem:$0x4780] =	vst v63  }
0x13: {  	_ =	swait.ge [sflag:s10], $0x1340  }
0x14: {  	[sflag:s10] =	ssyncset.done $0x0  }
0x15: {  	[sflag:s10] =	ssyncadd.s32 $0xFFFFECC0  }
0x16: {  	[tilespmem:s11], [sflag:$0x1] =	stream.linear.gather [hbm4b:s4+s1], $0x1380, $0x38;
	[tilespmem:$0x4780] =	vst v63  }
0x17: {  	_ =	swait.ge [sflag:s10], $0x1380  }
0x18: {  	[sflag:s10] =	ssyncset.done $0x0  }
0x19: {  	[sflag:s10] =	ssyncadd.s32 $0xFFFFEC80  }
0x1a: {  	[tilespmem:s12], [sflag:$0x1] =	stream.linear.gather [hbm4b:s5+s1], $0x2000, $0x38;
	[tilespmem:$0x4780] =	vst v63  }
0x1b: {  	s15 =	simm.s32 $0x1340;
	_ =	swait.ge [sflag:s10], $0x2000  }
0x1c: {  	s18 =	simm.s32 $0x1340;
	s17 =	simm.s32 $0xD;
	[sflag:s10] =	ssyncset.done $0x0  }
0x1d: {  	s14 =	simm.s32 $0x0;
	s16 =	simm.s32 $0x1340;
	[sflag:s10] =	ssyncadd.s32 $0xFFFFE000  }
.LBB2_2:
0x1e: {  	p0 =	sne.s32 s17, $0x1;
	p1 =	slt.s32 s18, $0x1;
	s19 =	sand.u32 $0x1, s18  }
0x1f: {  	s20 =	sshrl.u32 s18, $0x1F;
	p2 =	seq.s32 s19, $0x1  }
0x20: {  	s18 =	sadd.s32 s20, s18;
	p1 =	por !p1, !p2  }
0x21: {  	s19 =	simm.s32 $0x1;
	s18 =	sshra.s32 s18, $0x1;
	p1 =	por !p1, !p1  }
0x22: {  	s19 =	simm.s32 @!p1 $0x0  }
0x23: {  	s18 =	ssub.s32 s18, s19  }
0x24: {  	v3 =	vld [tilespmem:s18+$0x0];
	s19 =	sadd.s32 $0x1, s18;
	_ =	sdelay $0x4  }
0x25: {  	(v2sf) =	vpush v3, $0x0;
	_ =	sdelay $0xe  }
.Ltmp2:
0x26: {  	s20 =	spop (v2sf);
	(pc) =	sbr.rel @p0 .LBB2_2-.Ltmp2, $4  }
0x27: {  	p1 =	slt.s32 s20, s6;
	s20 =	smov.u32 s14  }
0x28: {  	p2 =	slt.s32 s14, s16;
	s20 =	smov.u32 @p1 s19;
	s18 =	smov.u32 @p1 s16  }
0x29: {  	s14 =	smov.u32 @p2 s20;
	s16 =	smov.u32 @p2 s18  }
0x2a: {  	s17 =	sadd.s32 $0xFFFFFFFF, s17;
	s18 =	sadd.s32 s14, s16  }
0x2b: {  	s17 =	sand.u32 $0x1, s18  }
0x2c: {  	p0 =	slt.s32 s18, $0x1;
	p1 =	seq.s32 s17, $0x1  }
0x2d: {  	s30 =	sshrl.u32 s18, $0x1F;
	p0 =	por !p0, !p1  }
0x2e: {  	s17 =	sadd.s32 s30, s18;
	s18 =	simm.s32 $0x1;
	p0 =	por !p0, !p0  }
0x2f: {  	s17 =	sshra.s32 s17, $0x1;
	s18 =	simm.s32 @!p0 $0x0  }
0x30: {  	s17 =	ssub.s32 s17, s18  }
0x31: {  	v3 =	vld [tilespmem:s17+$0x0];
	_ =	sdelay $0x4  }
0x32: {  	(v2sf) =	vpush v3, $0x0;
	_ =	sdelay $0xe  }
0x33: {  	s31 =	spop (v2sf)  }
0x34: {  	s18 =	smov.u32 s14;
	s17 =	sadd.s32 $0x1, s17;
	p0 =	slt.s32 s31, s6  }
0x35: {  	p1 =	slt.s32 s14, s16;
	s16 =	simm.s32 $0x0;
	s18 =	smov.u32 @p0 s17  }
0x36: {  	s17 =	simm.s32 $0xD;
	s14 =	smov.u32 @p1 s18;
	s18 =	simm.s32 $0x1340  }
.LBB2_4:
0x37: {  	p0 =	sne.s32 s17, $0x1;
	p1 =	slt.s32 s18, $0x1;
	s19 =	sand.u32 $0x1, s18  }
0x38: {  	s20 =	sshrl.u32 s18, $0x1F;
	p2 =	seq.s32 s19, $0x1  }
0x39: {  	s18 =	sadd.s32 s20, s18;
	p1 =	por !p1, !p2  }
0x3a: {  	s19 =	simm.s32 $0x1;
	s18 =	sshra.s32 s18, $0x1;
	p1 =	por !p1, !p1  }
0x3b: {  	s19 =	simm.s32 @!p1 $0x0  }
0x3c: {  	s18 =	ssub.s32 s18, s19  }
0x3d: {  	v3 =	vld [tilespmem:s18+$0x0];
	s19 =	sadd.s32 $0x1, s18;
	_ =	sdelay $0x4  }
0x3e: {  	(v2sf) =	vpush v3, $0x0;
	_ =	sdelay $0xe  }
.Ltmp3:
0x3f: {  	s20 =	spop (v2sf);
	(pc) =	sbr.rel @p0 .LBB2_4-.Ltmp3, $4  }
0x40: {  	p1 =	slt.s32 s20, s7;
	s20 =	smov.u32 s16  }
0x41: {  	p2 =	slt.s32 s16, s15;
	s20 =	smov.u32 @p1 s19;
	s18 =	smov.u32 @p1 s15  }
0x42: {  	s16 =	smov.u32 @p2 s20;
	s15 =	smov.u32 @p2 s18  }
0x43: {  	s17 =	sadd.s32 $0xFFFFFFFF, s17;
	s18 =	sadd.s32 s16, s15  }
0x44: {  	s17 =	sand.u32 $0x1, s18  }
0x45: {  	p0 =	slt.s32 s18, $0x1;
	p1 =	seq.s32 s17, $0x1  }
0x46: {  	s24 =	sshrl.u32 s18, $0x1F;
	p0 =	por !p0, !p1  }
0x47: {  	s17 =	sadd.s32 s24, s18;
	s18 =	simm.s32 $0x1;
	p0 =	por !p0, !p0  }
0x48: {  	s17 =	sshra.s32 s17, $0x1;
	s18 =	simm.s32 @!p0 $0x0  }
0x49: {  	s17 =	ssub.s32 s17, s18  }
0x4a: {  	v3 =	vld [tilespmem:s17+$0x0];
	_ =	sdelay $0x4  }
0x4b: {  	(v2sf) =	vpush v3, $0x0;
	_ =	sdelay $0xe  }
0x4c: {  	s26 =	sshra.s32 s14, $0x1F;
	s28 =	sand.u32 $0xF, s14;
	s25 =	spop (v2sf)  }
0x4d: {  	s18 =	smov.u32 s16;
	s17 =	sadd.s32 $0x1, s17;
	p0 =	slt.s32 s25, s7  }
0x4e: {  	p1 =	slt.s32 s16, s15;
	s15 =	sshrl.u32 s26, $0x1C;
	s18 =	smov.u32 @p0 s17  }
0x4f: {  	p4 =	slt.s32 s14, $0x1;
	s15 =	sadd.s32 s15, s14;
	s16 =	smov.u32 @p1 s18  }
0x50: {  	p5 =	sne.s32 s28, $0x0;
	s30 =	sshra.s32 s15, $0x4;
	s18 =	sadd.s32 $0xF, s16  }
0x51: {  	p0 =	por !p4, !p5;
	s17 =	simm.s32 $0x1;
	s29 =	sand.u32 $0xF, s18  }
0x52: {  	p6 =	slt.s32 s16, $0xFFFFFFF2;
	s31 =	sshra.s32 s18, $0x1F;
	p2 =	sne.s32 s29, $0x0  }
0x53: {  	p0 =	por !p0, !p0;
	s15 =	sshrl.u32 s31, $0x1C;
	p1 =	por !p6, !p2  }
0x54: {  	s16 =	simm.s32 $0x1;
	s15 =	sadd.s32 s15, s18;
	p1 =	por !p1, !p1  }
0x55: {  	s16 =	simm.s32 @!p0 $0x0;
	s15 =	sshra.s32 s15, $0x4;
	s17 =	simm.s32 @!p1 $0x0  }
0x56: {  	s16 =	ssub.s32 s30, s16;
	s14 =	ssub.s32 s15, s17  }
0x57: {  	p0 =	sge.s32 s16, s14  }
.Ltmp4:
0x58: {  	_ = 	snop;
	(pc) =	sbr.rel @p0 .LBB2_8-.Ltmp4, $1  }
0x59: {  	_ =	sdelay $0x3  }
0x5a: {  	s15 =	sshll.u32 s16, $0x6  }
0x5b: {  	s17 =	sshra.s32 s15, $0x2  }
0x5c: {  	v3 =	vld [tilespmem:s17+$0x0]  }
0x5d: {  	s15 =	sadd.s32 $0x1380, s17  }
0x5e: {  	v4 =	vld [tilespmem:s15+$0x0];
	_ =	sdelay $0x2  }
0x5f: {  	v5 =	vsub.s32 v3, v0  }
0x60: {  	vm0 =	vge.s32 v3, v0;
	vm1 =	vlt.s32 v3, v1;
	v3 =	vshll.u32 v5, $0x9  }
0x61: {  	s16 =	sadd.s32 $0x1, s16;
	vm0 =	vmand vm0, vm1;
	v3 =	vadd.s32 v4, v3  }
0x62: {  	p0 =	slt.s32 s16, s14;
	v3 =	vnsel vm0, $0x2000, v3  }
.Ltmp5:
0x63: {  	_ = 	snop;
	(pc) =	sbr.rel @!p0 .LBB2_8-.Ltmp5, $2  }
0x64: {  	_ =	sdelay $0x2  }
0x65: {  	s17 =	sadd.s32 $0x10, s17;
	[tilespmem:v3+s12+$0x0] =	vst.idx.msk $0xffff, v2  }
.LBB2_7:
0x66: {  	v3 =	vld [tilespmem:s17+$0x0];
	s16 =	sadd.s32 $0x1, s16  }
0x67: {  	s15 =	sadd.s32 $0x10, s15;
	p0 =	slt.s32 s16, s14  }
0x68: {  	v4 =	vld [tilespmem:s15+$0x0];
	_ =	sdelay $0x2  }
0x69: {  	v5 =	vsub.s32 v3, v0  }
0x6a: {  	vm0 =	vge.s32 v3, v0;
	vm1 =	vlt.s32 v3, v1;
	v3 =	vshll.u32 v5, $0x9  }
0x6b: {  	vm0 =	vmand vm0, vm1;
	v3 =	vadd.s32 v4, v3  }
0x6c: {  	v3 =	vnsel vm0, $0x2000, v3  }
.Ltmp6:
0x6d: {  	(pc) =	sbr.rel @p0 .LBB2_7-.Ltmp6, $2  }
0x6e: {  	_ =	sdelay $0x2  }
0x6f: {  	s17 =	sadd.s32 $0x10, s17;
	[tilespmem:v3+s12+$0x0] =	vst.idx.msk $0xffff, v2  }
.Ltmp7:
0x70: {  	_ = 	snop;
	(pc) =	sbr.rel .LBB2_8-.Ltmp7, $1  }
0x71: {  	_ =	sdelay $0x3  }
.LBB2_9:
0x72: {  	_ =	sfence.sel $0x180000  }
0x73: {  	[bflag:$0x0] =	sbarrier.arrive $0xFFFF  }
0x74: {  	p0 =	sne.s32 s2, $0x0;
	_ =	strace $0x90000047  }
0x75: {  	s0 =	sadd.s32 @!p0 $0x100000, s0;
	[bflag:$0x2] =	sbarrier.arrive $0xFFFF  }
0x76: {  	[sflag:s0] =	ssyncadd.tile.s32 @!p0 $0x1;
	_ =	shalt  }
.Lfunc_end2:
_tile_overlayer_lowered:
.L_overlay_start_2:
0x77: {  	(tag) =	ssettag $0x2  }
0x78: {  	s0 =	rddreg [dreg:$0x0];
	s2 =	stileid.u32  }
0x79: {  	s1 =	rddreg [dreg:$0x1];
	p0 =	sne.s32 s2, $0x0  }
0x7a: {  	s3 =	rddreg [dreg:$0x2];
	[bflag:$0x3] =	sbarrier.arrive $0xFFFF;
	s2 =	simm.s32 @!p0 $0x1C01  }
0x7b: {  	[timem:s3], [sflag:s2] =	dma.local @!p0 [hbm:s0], s1  }
0x7c: {  	s0 =	simm.s32 @!p0 $0x1  }
0x7d: {  	_ =	swait.ge @!p0 [sflag:s0], s1  }
0x7e: {  	s1 =	ssub.s32 @!p0 $0x0, s1;
	[sflag:s0] =	ssyncset.done @!p0 $0x0  }
0x7f: {  	[sflag:s0] =	ssyncadd.s32 @!p0 s1  }
0x80: {  	[bflag:$0x3] =	sbarrier.arrive $0xFFFF  }
0x81: {  	_ =	shalt  }

</sc_bundles>
